<compile_context>
chip_gen: v7x
topology: tpu7x:2x2x1
jax: 0.10.2.dev20260603
libtpu: 0.0.44.dev20260713+nightly
codegen_flags: <defaults>
</compile_context>

<pallas_src>
import functools

import jax
import jax.numpy as jnp
from jax import lax
from jax.experimental import pallas as pl
from jax.experimental.pallas import tpu as pltpu
from jax.experimental.pallas import tpu_sc as plsc

N = 10000
E = 320000
D = 128
H = 128
LAT = 64
G = 20
NL = 12
NENC = 9
NREC = 11

K = 80
TILES = 16
EPT = E // TILES
NITER = EPT // K
RCHUNK = 1000
RTILES = N // RCHUNK

def _sc_segsum_body(x_flat, src_e, dst_e, zrow, ones_r,
                    agg_out,
                    agg_sh, src_v, dst_v, rows_v, gsem):
    c = lax.axis_index("c")
    s = lax.axis_index("s")
    ebase = s * EPT
    rbase = s * RCHUNK

    def gather_chunks(l):
        def chunk(it, carry):
            base = ebase + it * K
            pltpu.sync_copy(src_e.at[pl.ds(base, K)], src_v)
            pltpu.sync_copy(dst_e.at[pl.ds(base, K)], dst_v)
            for j in range(K // 16):
                sl = pl.ds(j * 16, 16)
                src_v[sl] = src_v[sl] + l * N
            pltpu.async_copy(x_flat.at[src_v], rows_v, gsem).wait()
            pltpu.sync_copy(rows_v, agg_sh.at[dst_v], add=True)
            return carry

        lax.fori_loop(0, NITER, chunk, 0)

    def ones_chunks():
        def chunk(it, carry):
            base = ebase + it * K
            pltpu.sync_copy(dst_e.at[pl.ds(base, K)], dst_v)
            pltpu.sync_copy(rows_v, agg_sh.at[dst_v], add=True)
            return carry

        lax.fori_loop(0, NITER, chunk, 0)

    for i in range(5):
        l = i + 5 * c

        @pl.when(s < RTILES)
        def _():
            pltpu.sync_copy(zrow.at[pl.ds(rbase, RCHUNK)],
                            agg_sh.at[pl.ds(rbase, RCHUNK)])
        if i == 4:
            @pl.when(c == 1)
            def _():
                pltpu.sync_copy(ones_r, rows_v)
        plsc.subcore_barrier()

        if i == 4:
            @pl.when(c == 0)
            def _():
                gather_chunks(l)

            @pl.when(c == 1)
            def _():
                ones_chunks()
        else:
            gather_chunks(l)
        plsc.subcore_barrier()

        @pl.when(s < RTILES)
        def _():
            pltpu.sync_copy(agg_sh.at[pl.ds(rbase, RCHUNK)],
                            agg_out.at[pl.ds(l * N + rbase, RCHUNK)])


@functools.cache
def _get_sc_segsum():
    mesh = plsc.VectorSubcoreMesh(core_axis_name="c", subcore_axis_name="s",
                                  num_cores=2, num_subcores=TILES)
    return pl.kernel(
        _sc_segsum_body,
        out_type=jax.ShapeDtypeStruct(((NENC + 1) * N, D), jnp.float32),
        mesh=mesh,
        scratch_types=[
            pltpu.VMEM_SHARED((N, D), jnp.float32),
            pltpu.VMEM((K,), jnp.int32),
            pltpu.VMEM((K,), jnp.int32),
            pltpu.VMEM((K, D), jnp.float32),
            pltpu.SemaphoreType.DMA,
        ],
    )


BN = 2000
NBLK = N // BN


def _enc_body(agg_ref, cnt_ref, x_ref, wlT_ref, bl_ref, wrT_ref,
              out_ref, acc_ref):
    b = pl.program_id(1)

    @pl.when(b == 0)
    def _():
        acc_ref[...] = jnp.zeros_like(acc_ref)

    inv = 1.0 / jnp.maximum(cnt_ref[...], 1.0)
    mean = agg_ref[0] * inv
    h = mean @ wlT_ref[...] + bl_ref[...] + x_ref[0] @ wrT_ref[...]
    h = jnp.maximum(h, 0.0)
    acc_ref[...] += jnp.sum(h, axis=0, keepdims=True)

    @pl.when(b == NBLK - 1)
    def _():
        out_ref[0] = acc_ref[...] * (1.0 / N)


_enc_call = pl.pallas_call(
    _enc_body,
    grid=(NENC, NBLK),
    in_specs=[
        pl.BlockSpec((1, BN, D), lambda l, b: (l, b, 0)),
        pl.BlockSpec((BN, 1), lambda l, b: (b, 0)),
        pl.BlockSpec((1, BN, D), lambda l, b: (l, b, 0)),
        pl.BlockSpec((D, H), lambda l, b: (0, 0)),
        pl.BlockSpec((1, H), lambda l, b: (0, 0)),
        pl.BlockSpec((D, H), lambda l, b: (0, 0)),
    ],
    out_specs=pl.BlockSpec((1, 1, H), lambda l, b: (l, 0, 0)),
    out_shape=jax.ShapeDtypeStruct((NENC, 1, H), jnp.float32),
    scratch_shapes=[pltpu.VMEM((1, H), jnp.float32)],
)


def _head_body(ns_ref, wihT_ref, whhT_ref, bih_ref, bhh_ref,
               muT_ref, mub_ref, lvT_ref, lvb_ref, eps_ref,
               dwzT_ref, dwcT_ref, db_ref,
               dlT_ref, dbl_ref, drT_ref,
               mu_ref, lv_ref, rows_ref):
    h = jnp.zeros((1, H), jnp.float32)
    for t in range(NL):
        gi = ns_ref[t:t + 1, :] @ wihT_ref[...] + bih_ref[...]
        gh = h @ whhT_ref[...] + bhh_ref[...]
        r = jax.nn.sigmoid(gi[:, :H] + gh[:, :H])
        z = jax.nn.sigmoid(gi[:, H:2 * H] + gh[:, H:2 * H])
        n = jnp.tanh(gi[:, 2 * H:] + r * gh[:, 2 * H:])
        h = (1.0 - z) * n + z * h
    mu = h @ muT_ref[...] + mub_ref[...]
    logvar = h @ lvT_ref[...] + lvb_ref[...]
    zlat = mu + eps_ref[...] * jnp.exp(0.5 * logvar)
    ctx = zlat @ dwzT_ref[...] + db_ref[...]
    for t in range(NENC):
        ctx = ctx + ns_ref[t:t + 1, :] @ dwcT_ref[t]
    dec_in = jnp.maximum(ctx, 0.0)
    base = dec_in @ drT_ref[...] + dbl_ref[...]
    add = dec_in @ dlT_ref[...]
    mu_ref[...] = mu
    lv_ref[...] = logvar
    rows_ref[0:1, :] = base + add
    rows_ref[1:2, :] = base


_head_call = pl.pallas_call(
    _head_body,
    out_shape=(jax.ShapeDtypeStruct((1, LAT), jnp.float32),
               jax.ShapeDtypeStruct((1, LAT), jnp.float32),
               jax.ShapeDtypeStruct((2, D), jnp.float32)),
)


BN2 = 1000
NBLK2 = N // BN2


def _recon_body(rows_ref, cnt_ref, out_ref):
    sel = cnt_ref[...] > 0.0
    row = jnp.where(sel, rows_ref[0:1, :], rows_ref[1:2, :])
    out_ref[...] = jnp.broadcast_to(row[None], (NREC, BN2, D))


_recon_call = pl.pallas_call(
    _recon_body,
    grid=(NBLK2,),
    in_specs=[
        pl.BlockSpec((2, D), lambda b: (0, 0)),
        pl.BlockSpec((BN2, 1), lambda b: (b, 0)),
    ],
    out_specs=pl.BlockSpec((NREC, BN2, D), lambda b: (0, b, 0)),
    out_shape=jax.ShapeDtypeStruct((NREC, N, D), jnp.float32),
)


def kernel(x_layers, edge_index, mask, enc_Wl, enc_bl, enc_Wr,
           gru_Wih, gru_Whh, gru_bih, gru_bhh,
           mu_W, mu_b, lv_W, lv_b, dec_W, dec_b,
           dgnn_Wl, dgnn_bl, dgnn_Wr):
    f32 = jnp.float32
    x_flat = x_layers.reshape(NL * N, D)
    zrow = jnp.zeros((N, D), f32)
    ones_r = jnp.ones((K, D), f32)

    out_flat = _get_sc_segsum()(x_flat, edge_index[0], edge_index[1],
                                zrow, ones_r)
    agg = out_flat[:NENC * N].reshape(NENC, N, D)
    cnt = out_flat[NENC * N:, :1]

    sums = _enc_call(agg, cnt, x_layers[:NENC], enc_Wl.T,
                     enc_bl.reshape(1, H), enc_Wr.T)
    node_seq = jnp.concatenate(
        [sums.reshape(NENC, H), jnp.zeros((NL - NENC, H), f32)], axis=0)

    eps = jax.random.normal(jax.random.key(42), (LAT,), f32).reshape(1, LAT)
    dec_Wz = dec_W[:, :LAT].T
    dec_Wc = dec_W[:, LAT:LAT + NENC * H].T.reshape(NENC, H, H)
    mu2, lv2, rows2 = _head_call(
        node_seq, gru_Wih.T, gru_Whh.T,
        gru_bih.reshape(1, 3 * H), gru_bhh.reshape(1, 3 * H),
        mu_W.T, mu_b.reshape(1, LAT), lv_W.T, lv_b.reshape(1, LAT), eps,
        dec_Wz, dec_Wc, dec_b.reshape(1, H),
        dgnn_Wl.T, dgnn_bl.reshape(1, D), dgnn_Wr.T)

    recon = _recon_call(rows2, cnt)
    return recon, mu2.reshape(LAT), lv2.reshape(LAT)

# --- scband reference (transcript-rebuilt; emitter-appended) ---
"""Pipeline reference for scband-graph-mvae-89103391523121 (READ-ONLY COPY).

The authoritative reference and input builder live on the scoring server;
editing this copy changes nothing except your own understanding.
"""

import jax, jax.numpy as jnp
import numpy as np

L = 12      # graphs provided in graph_list
N = 10000   # nodes per graph
E = 320000  # edges (shared across layers, from graph_list[0])
D = 128     # node_feature_dim
H = 128     # hidden_dim
LAT = 64    # latent_dim
G = 20      # num_graphs


def setup_inputs(seed: int = 0) -> dict:
    key = jax.random.key(seed)
    ks = jax.random.split(key, 24)
    s = 0.05
    inp = {}
    inp['x_layers'] = jax.random.normal(ks[0], (L, N, D), dtype=jnp.float32)
    inp['edge_index'] = jax.random.randint(ks[1], (2, E), 0, N, dtype=jnp.int32)
    inp['mask'] = jnp.array([True] * 9 + [False] * 3)
    # encoder SAGEConv(D -> H): lin_l (neighbors, with bias), lin_r (root, no bias)
    inp['enc_Wl'] = jax.random.normal(ks[2], (H, D), dtype=jnp.float32) * s
    inp['enc_bl'] = jax.random.normal(ks[3], (H,), dtype=jnp.float32) * s
    inp['enc_Wr'] = jax.random.normal(ks[4], (H, D), dtype=jnp.float32) * s
    # GRU(H -> H), torch gate order: r, z, n
    inp['gru_Wih'] = jax.random.normal(ks[5], (3 * H, H), dtype=jnp.float32) * s
    inp['gru_Whh'] = jax.random.normal(ks[6], (3 * H, H), dtype=jnp.float32) * s
    inp['gru_bih'] = jax.random.normal(ks[7], (3 * H,), dtype=jnp.float32) * s
    inp['gru_bhh'] = jax.random.normal(ks[8], (3 * H,), dtype=jnp.float32) * s
    inp['mu_W'] = jax.random.normal(ks[9], (LAT, H), dtype=jnp.float32) * s
    inp['mu_b'] = jax.random.normal(ks[10], (LAT,), dtype=jnp.float32) * s
    inp['lv_W'] = jax.random.normal(ks[11], (LAT, H), dtype=jnp.float32) * s
    inp['lv_b'] = jax.random.normal(ks[12], (LAT,), dtype=jnp.float32) * s
    inp['dec_W'] = jax.random.normal(ks[13], (H, LAT + G * H), dtype=jnp.float32) * s
    inp['dec_b'] = jax.random.normal(ks[14], (H,), dtype=jnp.float32) * s
    # decoder SAGEConv(H -> D)
    inp['dgnn_Wl'] = jax.random.normal(ks[15], (D, H), dtype=jnp.float32) * s
    inp['dgnn_bl'] = jax.random.normal(ks[16], (D,), dtype=jnp.float32) * s
    inp['dgnn_Wr'] = jax.random.normal(ks[17], (D, H), dtype=jnp.float32) * s
    return inp


def _sage(x, src, dst, Wl, bl, Wr):
    # PyG SAGEConv with mean aggregation: lin_l(mean_neigh) + lin_r(x)
    agg = jax.ops.segment_sum(x[src], dst, num_segments=N)
    cnt = jax.ops.segment_sum(jnp.ones((src.shape[0],), x.dtype), dst, num_segments=N)
    mean = agg / jnp.maximum(cnt, 1.0)[:, None]
    return mean @ Wl.T + bl + x @ Wr.T


def reference(x_layers, edge_index, mask, enc_Wl, enc_bl, enc_Wr,
              gru_Wih, gru_Whh, gru_bih, gru_bhh,
              mu_W, mu_b, lv_W, lv_b, dec_W, dec_b,
              dgnn_Wl, dgnn_bl, dgnn_Wr):
    mask_static = [True] * 9 + [False] * 3
    src, dst = edge_index[0], edge_index[1]
    # ---- encode ----
    node_reprs = []
    for i in range(L):
        h_nodes = jax.nn.relu(_sage(x_layers[i], src, dst, enc_Wl, enc_bl, enc_Wr))
        node_reprs.append(jnp.where(mask[i], h_nodes.mean(axis=0),
                                    jnp.zeros((H,), x_layers.dtype)))
    node_seq = jnp.stack(node_reprs)  # [L, H]
    h = jnp.zeros((H,), x_layers.dtype)
    for t in range(L):
        gi = gru_Wih @ node_seq[t] + gru_bih
        gh = gru_Whh @ h + gru_bhh
        ir, iz, inn = jnp.split(gi, 3)
        hr, hz, hn = jnp.split(gh, 3)
        r = jax.nn.sigmoid(ir + hr)
        z = jax.nn.sigmoid(iz + hz)
        n = jnp.tanh(inn + r * hn)
        h = (1.0 - z) * n + z * h
    mu = mu_W @ h + mu_b
    logvar = lv_W @ h + lv_b
    # ---- reparameterize (fixed eps for determinism) ----
    std = jnp.exp(0.5 * logvar)
    eps = jax.random.normal(jax.random.key(42), std.shape, std.dtype)
    zlat = mu + eps * std
    # ---- decode ----
    reprs = node_reprs + [jnp.zeros((H,), x_layers.dtype)] * (G - L)
    context = jnp.concatenate(reprs, axis=0)
    z_context = jnp.concatenate([zlat.reshape(-1), context.reshape(-1)], axis=0)
    dec_input = jax.nn.relu(dec_W @ z_context + dec_b)
    recon = []
    for i in range(L):
        if not mask_static[i]:
            dni = jnp.tile(dec_input[None, :], (N, 1))
            recon.append(_sage(dni, src, dst, dgnn_Wl, dgnn_bl, dgnn_Wr))
    for i in range(L, G):
        dni = jnp.tile(dec_input[None, :], (N, 1))
        recon.append(_sage(dni, src, dst, dgnn_Wl, dgnn_bl, dgnn_Wr))
    recon_stack = jnp.stack(recon)  # [11, N, D]
    return recon_stack, mu, logvar

if __name__ == "__main__":
    import jax
    _d = setup_inputs()
    print(jax.jit(kernel)(*tuple(_d.values())))

</pallas_src>

<mosaic_0001>
#map = affine_map<(d0, d1) -> (0, 0)>
#map1 = affine_map<(d0, d1) -> (0)>
module attributes {stable_mosaic.version = 14 : i64} {
  func.func @_sc_segsum_body(%arg0: i32, %arg1: i32, %arg2: memref<120000x128xf32, #tpu.memory_space<hbm>>, %arg3: memref<320000xi32, #tpu.memory_space<hbm>>, %arg4: memref<320000xi32, #tpu.memory_space<hbm>>, %arg5: memref<10000x128xf32, #tpu.memory_space<hbm>>, %arg6: memref<80x128xf32, #tpu.memory_space<hbm>>, %arg7: memref<100000x128xf32, #tpu.memory_space<hbm>>, %arg8: memref<10000x128xf32, #tpu.memory_space<vmem_shared>>, %arg9: memref<80xi32, #tpu.memory_space<vmem>>, %arg10: memref<80xi32, #tpu.memory_space<vmem>>, %arg11: memref<80x128xf32, #tpu.memory_space<vmem>>, %arg12: memref<!tpu.dma_semaphore, #tpu.memory_space<semaphore_mem>>) attributes {dimension_semantics = [#tpu.dimension_semantics<core_parallel>, #tpu.dimension_semantics<subcore_parallel>], iteration_bounds = array<i64: 2, 16>, scalar_prefetch = 0 : i64, scratch_operands = 5 : i64, tpu.core_type = #tpu.core_type<sc_vector_subcore>, window_params = [{transform_indices = #map}, {transform_indices = #map1}, {transform_indices = #map1}, {transform_indices = #map}, {transform_indices = #map}, {transform_indices = #map}]} {
    %mul3A = arith.constant 20000 : i32
    %mul3A_0 = arith.muli %arg1, %mul3A : i32
    %mul3A_1 = arith.constant 1000 : i32
    %mul3A_2 = arith.muli %arg1, %mul3A_1 : i32
    %mul3A_3 = arith.constant 5 : i32
    %mul3A_4 = arith.muli %mul3A_3, %arg0 : i32
    %add3A = arith.constant 0 : i32
    %add3A_5 = arith.addi %add3A, %mul3A_4 : i32
    %lt3A = arith.constant 10 : i32
    %lt3A_6 = arith.cmpi slt, %arg1, %lt3A : i32
    %convert_element_type3A = arith.extui %lt3A_6 : i1 to i32
    %cond3A = arith.constant 0 : i32
    %cond3A_7 = arith.cmpi ne, %convert_element_type3A, %cond3A : i32
    scf.if %cond3A_7 {
      "tpu.region"() ({
        %run_scoped3A = tpu.sem_alloc : memref<!tpu.dma_semaphore, #tpu.memory_space<semaphore_mem>>
        %dma_start3A = arith.constant 0 : i32
        %dma_start3A_115 = tpu.memref_slice %arg8[%mul3A_2, %dma_start3A] : memref<10000x128xf32, #tpu.memory_space<vmem_shared>> -> memref<1000x128xf32, #tpu.memory_space<vmem_shared>>
        %dma_start3A_116 = arith.constant 0 : i32
        %dma_start3A_117 = tpu.memref_slice %arg5[%mul3A_2, %dma_start3A_116] : memref<10000x128xf32, #tpu.memory_space<hbm>> -> memref<1000x128xf32, #tpu.memory_space<hbm>>
        tpu.enqueue_dma source(%dma_start3A_117 : memref<1000x128xf32, #tpu.memory_space<hbm>>) target(%dma_start3A_115 : memref<1000x128xf32, #tpu.memory_space<vmem_shared>>) target_semaphore(%run_scoped3A : memref<!tpu.dma_semaphore, #tpu.memory_space<semaphore_mem>>)
        %dma_wait3A = arith.constant 0 : i32
        %dma_wait3A_118 = tpu.memref_slice %arg8[%mul3A_2, %dma_wait3A] : memref<10000x128xf32, #tpu.memory_space<vmem_shared>> -> memref<1000x128xf32, #tpu.memory_space<vmem_shared>>
        %dma_wait3A_119 = arith.constant 0 : i32
        %dma_wait3A_120 = tpu.memref_slice %arg5[%mul3A_2, %dma_wait3A_119] : memref<10000x128xf32, #tpu.memory_space<hbm>> -> memref<1000x128xf32, #tpu.memory_space<hbm>>
        tpu.wait_dma2 semaphore(%run_scoped3A : memref<!tpu.dma_semaphore, #tpu.memory_space<semaphore_mem>>) src(%dma_wait3A_120 : memref<1000x128xf32, #tpu.memory_space<hbm>>) dst(%dma_wait3A_118 : memref<1000x128xf32, #tpu.memory_space<vmem_shared>>)
        tpu.yield
      }) : () -> ()
    } else {
    }
    %barrier3A = arith.constant 0 : index
    tpu.barrier barrier_id(%barrier3A)
    %scan3A = arith.constant 0 : i32
    %scan3A_8 = arith.constant 0 : i32
    %scan3A_9 = arith.constant 250 : i32
    %scan3A_10 = arith.addi %scan3A_8, %scan3A_9 : i32
    %scan3A_11 = arith.constant 1 : i32
    scf.for %scan3A_115 = %scan3A_8 to %scan3A_10 step %scan3A_11  : i32 {
      %mul3A_116 = arith.constant 80 : i32
      %mul3A_117 = arith.muli %scan3A_115, %mul3A_116 : i32
      %add3A_118 = arith.addi %mul3A_0, %mul3A_117 : i32
      "tpu.region"() ({
        %run_scoped3A = tpu.sem_alloc : memref<!tpu.dma_semaphore, #tpu.memory_space<semaphore_mem>>
        %dma_start3A_176 = tpu.memref_slice %arg3[%add3A_118] : memref<320000xi32, #tpu.memory_space<hbm>> -> memref<80xi32, #tpu.memory_space<hbm>>
        %dma_start3A_177 = tpu.memref_slice %arg3[%add3A_118] : memref<320000xi32, #tpu.memory_space<hbm>> -> memref<80xi32, #tpu.memory_space<hbm>>
        tpu.enqueue_dma source(%dma_start3A_177 : memref<80xi32, #tpu.memory_space<hbm>>) target(%arg9 : memref<80xi32, #tpu.memory_space<vmem>>) target_semaphore(%run_scoped3A : memref<!tpu.dma_semaphore, #tpu.memory_space<semaphore_mem>>)
        %dma_wait3A_178 = tpu.memref_slice %arg3[%add3A_118] : memref<320000xi32, #tpu.memory_space<hbm>> -> memref<80xi32, #tpu.memory_space<hbm>>
        %dma_wait3A_179 = tpu.memref_slice %arg3[%add3A_118] : memref<320000xi32, #tpu.memory_space<hbm>> -> memref<80xi32, #tpu.memory_space<hbm>>
        tpu.wait_dma2 semaphore(%run_scoped3A : memref<!tpu.dma_semaphore, #tpu.memory_space<semaphore_mem>>) src(%dma_wait3A_179 : memref<80xi32, #tpu.memory_space<hbm>>) dst(%arg9 : memref<80xi32, #tpu.memory_space<vmem>>)
        tpu.yield
      }) : () -> ()
      "tpu.region"() ({
        %run_scoped3A = tpu.sem_alloc : memref<!tpu.dma_semaphore, #tpu.memory_space<semaphore_mem>>
        %dma_start3A_176 = tpu.memref_slice %arg4[%add3A_118] : memref<320000xi32, #tpu.memory_space<hbm>> -> memref<80xi32, #tpu.memory_space<hbm>>
        %dma_start3A_177 = tpu.memref_slice %arg4[%add3A_118] : memref<320000xi32, #tpu.memory_space<hbm>> -> memref<80xi32, #tpu.memory_space<hbm>>
        tpu.enqueue_dma source(%dma_start3A_177 : memref<80xi32, #tpu.memory_space<hbm>>) target(%arg10 : memref<80xi32, #tpu.memory_space<vmem>>) target_semaphore(%run_scoped3A : memref<!tpu.dma_semaphore, #tpu.memory_space<semaphore_mem>>)
        %dma_wait3A_178 = tpu.memref_slice %arg4[%add3A_118] : memref<320000xi32, #tpu.memory_space<hbm>> -> memref<80xi32, #tpu.memory_space<hbm>>
        %dma_wait3A_179 = tpu.memref_slice %arg4[%add3A_118] : memref<320000xi32, #tpu.memory_space<hbm>> -> memref<80xi32, #tpu.memory_space<hbm>>
        tpu.wait_dma2 semaphore(%run_scoped3A : memref<!tpu.dma_semaphore, #tpu.memory_space<semaphore_mem>>) src(%dma_wait3A_179 : memref<80xi32, #tpu.memory_space<hbm>>) dst(%arg10 : memref<80xi32, #tpu.memory_space<vmem>>)
        tpu.yield
      }) : () -> ()
      %get3A = arith.constant 0 : index
      %get3A_119 = tpu.vector_load %arg9[%get3A] {strides = array<i32>} : memref<80xi32, #tpu.memory_space<vmem>>, vector<16xi32>,
      %get3A_120 = vector.shape_cast %get3A_119 : vector<16xi32> to vector<16xi32>
      %mul3A_121 = arith.constant 10000 : i32
      %mul3A_122 = arith.muli %add3A_5, %mul3A_121 : i32
      %add3A_123 = vector.broadcast %mul3A_122 : i32 to vector<16xi32>
      %add3A_124 = arith.addi %get3A_120, %add3A_123 : vector<16xi32>
      %swap3A = arith.constant 0 : index
      %swap3A_125 = tpu.vector_load %arg9[%swap3A] {strides = array<i32>} : memref<80xi32, #tpu.memory_space<vmem>>, vector<16xi32>,
      %swap3A_126 = vector.shape_cast %swap3A_125 : vector<16xi32> to vector<16xi32>
      %swap3A_127 = vector.shape_cast %add3A_124 : vector<16xi32> to vector<16xi32>
      tpu.vector_store %arg9[%swap3A], %swap3A_127 {strides = array<i32>} : memref<80xi32, #tpu.memory_space<vmem>>, vector<16xi32>,
      %get3A_128 = arith.constant 16 : index
      %get3A_129 = tpu.vector_load %arg9[%get3A_128] {strides = array<i32>} : memref<80xi32, #tpu.memory_space<vmem>>, vector<16xi32>,
      %get3A_130 = vector.shape_cast %get3A_129 : vector<16xi32> to vector<16xi32>
      %mul3A_131 = arith.constant 10000 : i32
      %mul3A_132 = arith.muli %add3A_5, %mul3A_131 : i32
      %add3A_133 = vector.broadcast %mul3A_132 : i32 to vector<16xi32>
      %add3A_134 = arith.addi %get3A_130, %add3A_133 : vector<16xi32>
      %swap3A_135 = arith.constant 16 : index
      %swap3A_136 = tpu.vector_load %arg9[%swap3A_135] {strides = array<i32>} : memref<80xi32, #tpu.memory_space<vmem>>, vector<16xi32>,
      %swap3A_137 = vector.shape_cast %swap3A_136 : vector<16xi32> to vector<16xi32>
      %swap3A_138 = vector.shape_cast %add3A_134 : vector<16xi32> to vector<16xi32>
      tpu.vector_store %arg9[%swap3A_135], %swap3A_138 {strides = array<i32>} : memref<80xi32, #tpu.memory_space<vmem>>, vector<16xi32>,
      %get3A_139 = arith.constant 32 : index
      %get3A_140 = tpu.vector_load %arg9[%get3A_139] {strides = array<i32>} : memref<80xi32, #tpu.memory_space<vmem>>, vector<16xi32>,
      %get3A_141 = vector.shape_cast %get3A_140 : vector<16xi32> to vector<16xi32>
      %mul3A_142 = arith.constant 10000 : i32
      %mul3A_143 = arith.muli %add3A_5, %mul3A_142 : i32
      %add3A_144 = vector.broadcast %mul3A_143 : i32 to vector<16xi32>
      %add3A_145 = arith.addi %get3A_141, %add3A_144 : vector<16xi32>
      %swap3A_146 = arith.constant 32 : index
      %swap3A_147 = tpu.vector_load %arg9[%swap3A_146] {strides = array<i32>} : memref<80xi32, #tpu.memory_space<vmem>>, vector<16xi32>,
      %swap3A_148 = vector.shape_cast %swap3A_147 : vector<16xi32> to vector<16xi32>
      %swap3A_149 = vector.shape_cast %add3A_145 : vector<16xi32> to vector<16xi32>
      tpu.vector_store %arg9[%swap3A_146], %swap3A_149 {strides = array<i32>} : memref<80xi32, #tpu.memory_space<vmem>>, vector<16xi32>,
      %get3A_150 = arith.constant 48 : index
      %get3A_151 = tpu.vector_load %arg9[%get3A_150] {strides = array<i32>} : memref<80xi32, #tpu.memory_space<vmem>>, vector<16xi32>,
      %get3A_152 = vector.shape_cast %get3A_151 : vector<16xi32> to vector<16xi32>
      %mul3A_153 = arith.constant 10000 : i32
      %mul3A_154 = arith.muli %add3A_5, %mul3A_153 : i32
      %add3A_155 = vector.broadcast %mul3A_154 : i32 to vector<16xi32>
      %add3A_156 = arith.addi %get3A_152, %add3A_155 : vector<16xi32>
      %swap3A_157 = arith.constant 48 : index
      %swap3A_158 = tpu.vector_load %arg9[%swap3A_157] {strides = array<i32>} : memref<80xi32, #tpu.memory_space<vmem>>, vector<16xi32>,
      %swap3A_159 = vector.shape_cast %swap3A_158 : vector<16xi32> to vector<16xi32>
      %swap3A_160 = vector.shape_cast %add3A_156 : vector<16xi32> to vector<16xi32>
      tpu.vector_store %arg9[%swap3A_157], %swap3A_160 {strides = array<i32>} : memref<80xi32, #tpu.memory_space<vmem>>, vector<16xi32>,
      %get3A_161 = arith.constant 64 : index
      %get3A_162 = tpu.vector_load %arg9[%get3A_161] {strides = array<i32>} : memref<80xi32, #tpu.memory_space<vmem>>, vector<16xi32>,
      %get3A_163 = vector.shape_cast %get3A_162 : vector<16xi32> to vector<16xi32>
      %mul3A_164 = arith.constant 10000 : i32
      %mul3A_165 = arith.muli %add3A_5, %mul3A_164 : i32
      %add3A_166 = vector.broadcast %mul3A_165 : i32 to vector<16xi32>
      %add3A_167 = arith.addi %get3A_163, %add3A_166 : vector<16xi32>
      %swap3A_168 = arith.constant 64 : index
      %swap3A_169 = tpu.vector_load %arg9[%swap3A_168] {strides = array<i32>} : memref<80xi32, #tpu.memory_space<vmem>>, vector<16xi32>,
      %swap3A_170 = vector.shape_cast %swap3A_169 : vector<16xi32> to vector<16xi32>
      %swap3A_171 = vector.shape_cast %add3A_167 : vector<16xi32> to vector<16xi32>
      tpu.vector_store %arg9[%swap3A_168], %swap3A_171 {strides = array<i32>} : memref<80xi32, #tpu.memory_space<vmem>>, vector<16xi32>,
      %dma_start3A = arith.constant 0 : i32
      %dma_start3A_172 = arith.constant 0 : i32
      %dma_start3A_173 = tpu.memref_slice %arg2[%dma_start3A, %dma_start3A_172] : memref<120000x128xf32, #tpu.memory_space<hbm>> -> memref<120000x128xf32, #tpu.memory_space<hbm>>
      tpu.enqueue_indirect_dma source(%dma_start3A_173 : memref<120000x128xf32, #tpu.memory_space<hbm>>) target(%arg11 : memref<80x128xf32, #tpu.memory_space<vmem>>) offsets(%arg9 : memref<80xi32, #tpu.memory_space<vmem>>) semaphore(%arg12 : memref<!tpu.dma_semaphore, #tpu.memory_space<semaphore_mem>>)
      %dma_wait3A = arith.constant 0 : i32
      %dma_wait3A_174 = arith.constant 0 : i32
      %dma_wait3A_175 = tpu.memref_slice %arg2[%dma_wait3A, %dma_wait3A_174] : memref<120000x128xf32, #tpu.memory_space<hbm>> -> memref<120000x128xf32, #tpu.memory_space<hbm>>
      tpu.wait_indirect_dma semaphore(%arg12 : memref<!tpu.dma_semaphore, #tpu.memory_space<semaphore_mem>>) src(%dma_wait3A_175 : memref<120000x128xf32, #tpu.memory_space<hbm>>) dst(%arg11 : memref<80x128xf32, #tpu.memory_space<vmem>>)
      "tpu.region"() ({
        %run_scoped3A = tpu.sem_alloc : memref<!tpu.dma_semaphore, #tpu.memory_space<semaphore_mem>>
        %dma_start3A_176 = arith.constant 0 : i32
        %dma_start3A_177 = arith.constant 0 : i32
        %dma_start3A_178 = tpu.memref_slice %arg8[%dma_start3A_176, %dma_start3A_177] : memref<10000x128xf32, #tpu.memory_space<vmem_shared>> -> memref<10000x128xf32, #tpu.memory_space<vmem_shared>>
        tpu.enqueue_indirect_dma source(%arg11 : memref<80x128xf32, #tpu.memory_space<vmem>>) target(%dma_start3A_178 : memref<10000x128xf32, #tpu.memory_space<vmem_shared>>) offsets(%arg10 : memref<80xi32, #tpu.memory_space<vmem>>) semaphore(%run_scoped3A : memref<!tpu.dma_semaphore, #tpu.memory_space<semaphore_mem>>) {add = true}
        %dma_wait3A_179 = arith.constant 0 : i32
        %dma_wait3A_180 = arith.constant 0 : i32
        %dma_wait3A_181 = tpu.memref_slice %arg8[%dma_wait3A_179, %dma_wait3A_180] : memref<10000x128xf32, #tpu.memory_space<vmem_shared>> -> memref<10000x128xf32, #tpu.memory_space<vmem_shared>>
        tpu.wait_indirect_dma semaphore(%run_scoped3A : memref<!tpu.dma_semaphore, #tpu.memory_space<semaphore_mem>>) src(%arg11 : memref<80x128xf32, #tpu.memory_space<vmem>>) dst(%dma_wait3A_181 : memref<10000x128xf32, #tpu.memory_space<vmem_shared>>)
        tpu.yield
      }) : () -> ()
    }
    %scan3A_12 = arith.constant 250 : i32
    %barrier3A_13 = arith.constant 0 : index
    tpu.barrier barrier_id(%barrier3A_13)
    %lt3A_14 = arith.constant 10 : i32
    %lt3A_15 = arith.cmpi slt, %arg1, %lt3A_14 : i32
    %convert_element_type3A_16 = arith.extui %lt3A_15 : i1 to i32
    %cond3A_17 = arith.constant 0 : i32
    %cond3A_18 = arith.cmpi ne, %convert_element_type3A_16, %cond3A_17 : i32
    scf.if %cond3A_18 {
      %mul3A_115 = arith.constant 10000 : i32
      %mul3A_116 = arith.muli %add3A_5, %mul3A_115 : i32
      %add3A_117 = arith.addi %mul3A_116, %mul3A_2 : i32
      "tpu.region"() ({
        %run_scoped3A = tpu.sem_alloc : memref<!tpu.dma_semaphore, #tpu.memory_space<semaphore_mem>>
        %dma_start3A = arith.constant 0 : i32
        %dma_start3A_118 = tpu.memref_slice %arg7[%add3A_117, %dma_start3A] : memref<100000x128xf32, #tpu.memory_space<hbm>> -> memref<1000x128xf32, #tpu.memory_space<hbm>>
        %dma_start3A_119 = arith.constant 0 : i32
        %dma_start3A_120 = tpu.memref_slice %arg8[%mul3A_2, %dma_start3A_119] : memref<10000x128xf32, #tpu.memory_space<vmem_shared>> -> memref<1000x128xf32, #tpu.memory_space<vmem_shared>>
        tpu.enqueue_dma source(%dma_start3A_120 : memref<1000x128xf32, #tpu.memory_space<vmem_shared>>) target(%dma_start3A_118 : memref<1000x128xf32, #tpu.memory_space<hbm>>) target_semaphore(%run_scoped3A : memref<!tpu.dma_semaphore, #tpu.memory_space<semaphore_mem>>)
        %dma_wait3A = arith.constant 0 : i32
        %dma_wait3A_121 = tpu.memref_slice %arg7[%add3A_117, %dma_wait3A] : memref<100000x128xf32, #tpu.memory_space<hbm>> -> memref<1000x128xf32, #tpu.memory_space<hbm>>
        %dma_wait3A_122 = arith.constant 0 : i32
        %dma_wait3A_123 = tpu.memref_slice %arg8[%mul3A_2, %dma_wait3A_122] : memref<10000x128xf32, #tpu.memory_space<vmem_shared>> -> memref<1000x128xf32, #tpu.memory_space<vmem_shared>>
        tpu.wait_dma2 semaphore(%run_scoped3A : memref<!tpu.dma_semaphore, #tpu.memory_space<semaphore_mem>>) src(%dma_wait3A_123 : memref<1000x128xf32, #tpu.memory_space<vmem_shared>>) dst(%dma_wait3A_121 : memref<1000x128xf32, #tpu.memory_space<hbm>>)
        tpu.yield
      }) : () -> ()
    } else {
    }
    %mul3A_19 = arith.constant 5 : i32
    %mul3A_20 = arith.muli %mul3A_19, %arg0 : i32
    %add3A_21 = arith.constant 1 : i32
    %add3A_22 = arith.addi %add3A_21, %mul3A_20 : i32
    %lt3A_23 = arith.constant 10 : i32
    %lt3A_24 = arith.cmpi slt, %arg1, %lt3A_23 : i32
    %convert_element_type3A_25 = arith.extui %lt3A_24 : i1 to i32
    %cond3A_26 = arith.constant 0 : i32
    %cond3A_27 = arith.cmpi ne, %convert_element_type3A_25, %cond3A_26 : i32
    scf.if %cond3A_27 {
      "tpu.region"() ({
        %run_scoped3A = tpu.sem_alloc : memref<!tpu.dma_semaphore, #tpu.memory_space<semaphore_mem>>
        %dma_start3A = arith.constant 0 : i32
        %dma_start3A_115 = tpu.memref_slice %arg8[%mul3A_2, %dma_start3A] : memref<10000x128xf32, #tpu.memory_space<vmem_shared>> -> memref<1000x128xf32, #tpu.memory_space<vmem_shared>>
        %dma_start3A_116 = arith.constant 0 : i32
        %dma_start3A_117 = tpu.memref_slice %arg5[%mul3A_2, %dma_start3A_116] : memref<10000x128xf32, #tpu.memory_space<hbm>> -> memref<1000x128xf32, #tpu.memory_space<hbm>>
        tpu.enqueue_dma source(%dma_start3A_117 : memref<1000x128xf32, #tpu.memory_space<hbm>>) target(%dma_start3A_115 : memref<1000x128xf32, #tpu.memory_space<vmem_shared>>) target_semaphore(%run_scoped3A : memref<!tpu.dma_semaphore, #tpu.memory_space<semaphore_mem>>)
        %dma_wait3A = arith.constant 0 : i32
        %dma_wait3A_118 = tpu.memref_slice %arg8[%mul3A_2, %dma_wait3A] : memref<10000x128xf32, #tpu.memory_space<vmem_shared>> -> memref<1000x128xf32, #tpu.memory_space<vmem_shared>>
        %dma_wait3A_119 = arith.constant 0 : i32
        %dma_wait3A_120 = tpu.memref_slice %arg5[%mul3A_2, %dma_wait3A_119] : memref<10000x128xf32, #tpu.memory_space<hbm>> -> memref<1000x128xf32, #tpu.memory_space<hbm>>
        tpu.wait_dma2 semaphore(%run_scoped3A : memref<!tpu.dma_semaphore, #tpu.memory_space<semaphore_mem>>) src(%dma_wait3A_120 : memref<1000x128xf32, #tpu.memory_space<hbm>>) dst(%dma_wait3A_118 : memref<1000x128xf32, #tpu.memory_space<vmem_shared>>)
        tpu.yield
      }) : () -> ()
    } else {
    }
    %barrier3A_28 = arith.constant 0 : index
    tpu.barrier barrier_id(%barrier3A_28)
    %scan3A_29 = arith.constant 0 : i32
    %scan3A_30 = arith.constant 0 : i32
    %scan3A_31 = arith.constant 250 : i32
    %scan3A_32 = arith.addi %scan3A_30, %scan3A_31 : i32
    %scan3A_33 = arith.constant 1 : i32
    scf.for %scan3A_115 = %scan3A_30 to %scan3A_32 step %scan3A_33  : i32 {
      %mul3A_116 = arith.constant 80 : i32
      %mul3A_117 = arith.muli %scan3A_115, %mul3A_116 : i32
      %add3A_118 = arith.addi %mul3A_0, %mul3A_117 : i32
      "tpu.region"() ({
        %run_scoped3A = tpu.sem_alloc : memref<!tpu.dma_semaphore, #tpu.memory_space<semaphore_mem>>
        %dma_start3A_176 = tpu.memref_slice %arg3[%add3A_118] : memref<320000xi32, #tpu.memory_space<hbm>> -> memref<80xi32, #tpu.memory_space<hbm>>
        %dma_start3A_177 = tpu.memref_slice %arg3[%add3A_118] : memref<320000xi32, #tpu.memory_space<hbm>> -> memref<80xi32, #tpu.memory_space<hbm>>
        tpu.enqueue_dma source(%dma_start3A_177 : memref<80xi32, #tpu.memory_space<hbm>>) target(%arg9 : memref<80xi32, #tpu.memory_space<vmem>>) target_semaphore(%run_scoped3A : memref<!tpu.dma_semaphore, #tpu.memory_space<semaphore_mem>>)
        %dma_wait3A_178 = tpu.memref_slice %arg3[%add3A_118] : memref<320000xi32, #tpu.memory_space<hbm>> -> memref<80xi32, #tpu.memory_space<hbm>>
        %dma_wait3A_179 = tpu.memref_slice %arg3[%add3A_118] : memref<320000xi32, #tpu.memory_space<hbm>> -> memref<80xi32, #tpu.memory_space<hbm>>
        tpu.wait_dma2 semaphore(%run_scoped3A : memref<!tpu.dma_semaphore, #tpu.memory_space<semaphore_mem>>) src(%dma_wait3A_179 : memref<80xi32, #tpu.memory_space<hbm>>) dst(%arg9 : memref<80xi32, #tpu.memory_space<vmem>>)
        tpu.yield
      }) : () -> ()
      "tpu.region"() ({
        %run_scoped3A = tpu.sem_alloc : memref<!tpu.dma_semaphore, #tpu.memory_space<semaphore_mem>>
        %dma_start3A_176 = tpu.memref_slice %arg4[%add3A_118] : memref<320000xi32, #tpu.memory_space<hbm>> -> memref<80xi32, #tpu.memory_space<hbm>>
        %dma_start3A_177 = tpu.memref_slice %arg4[%add3A_118] : memref<320000xi32, #tpu.memory_space<hbm>> -> memref<80xi32, #tpu.memory_space<hbm>>
        tpu.enqueue_dma source(%dma_start3A_177 : memref<80xi32, #tpu.memory_space<hbm>>) target(%arg10 : memref<80xi32, #tpu.memory_space<vmem>>) target_semaphore(%run_scoped3A : memref<!tpu.dma_semaphore, #tpu.memory_space<semaphore_mem>>)
        %dma_wait3A_178 = tpu.memref_slice %arg4[%add3A_118] : memref<320000xi32, #tpu.memory_space<hbm>> -> memref<80xi32, #tpu.memory_space<hbm>>
        %dma_wait3A_179 = tpu.memref_slice %arg4[%add3A_118] : memref<320000xi32, #tpu.memory_space<hbm>> -> memref<80xi32, #tpu.memory_space<hbm>>
        tpu.wait_dma2 semaphore(%run_scoped3A : memref<!tpu.dma_semaphore, #tpu.memory_space<semaphore_mem>>) src(%dma_wait3A_179 : memref<80xi32, #tpu.memory_space<hbm>>) dst(%arg10 : memref<80xi32, #tpu.memory_space<vmem>>)
        tpu.yield
      }) : () -> ()
      %get3A = arith.constant 0 : index
      %get3A_119 = tpu.vector_load %arg9[%get3A] {strides = array<i32>} : memref<80xi32, #tpu.memory_space<vmem>>, vector<16xi32>,
      %get3A_120 = vector.shape_cast %get3A_119 : vector<16xi32> to vector<16xi32>
      %mul3A_121 = arith.constant 10000 : i32
      %mul3A_122 = arith.muli %add3A_22, %mul3A_121 : i32
      %add3A_123 = vector.broadcast %mul3A_122 : i32 to vector<16xi32>
      %add3A_124 = arith.addi %get3A_120, %add3A_123 : vector<16xi32>
      %swap3A = arith.constant 0 : index
      %swap3A_125 = tpu.vector_load %arg9[%swap3A] {strides = array<i32>} : memref<80xi32, #tpu.memory_space<vmem>>, vector<16xi32>,
      %swap3A_126 = vector.shape_cast %swap3A_125 : vector<16xi32> to vector<16xi32>
      %swap3A_127 = vector.shape_cast %add3A_124 : vector<16xi32> to vector<16xi32>
      tpu.vector_store %arg9[%swap3A], %swap3A_127 {strides = array<i32>} : memref<80xi32, #tpu.memory_space<vmem>>, vector<16xi32>,
      %get3A_128 = arith.constant 16 : index
      %get3A_129 = tpu.vector_load %arg9[%get3A_128] {strides = array<i32>} : memref<80xi32, #tpu.memory_space<vmem>>, vector<16xi32>,
      %get3A_130 = vector.shape_cast %get3A_129 : vector<16xi32> to vector<16xi32>
      %mul3A_131 = arith.constant 10000 : i32
      %mul3A_132 = arith.muli %add3A_22, %mul3A_131 : i32
      %add3A_133 = vector.broadcast %mul3A_132 : i32 to vector<16xi32>
      %add3A_134 = arith.addi %get3A_130, %add3A_133 : vector<16xi32>
      %swap3A_135 = arith.constant 16 : index
      %swap3A_136 = tpu.vector_load %arg9[%swap3A_135] {strides = array<i32>} : memref<80xi32, #tpu.memory_space<vmem>>, vector<16xi32>,
      %swap3A_137 = vector.shape_cast %swap3A_136 : vector<16xi32> to vector<16xi32>
      %swap3A_138 = vector.shape_cast %add3A_134 : vector<16xi32> to vector<16xi32>
      tpu.vector_store %arg9[%swap3A_135], %swap3A_138 {strides = array<i32>} : memref<80xi32, #tpu.memory_space<vmem>>, vector<16xi32>,
      %get3A_139 = arith.constant 32 : index
      %get3A_140 = tpu.vector_load %arg9[%get3A_139] {strides = array<i32>} : memref<80xi32, #tpu.memory_space<vmem>>, vector<16xi32>,
      %get3A_141 = vector.shape_cast %get3A_140 : vector<16xi32> to vector<16xi32>
      %mul3A_142 = arith.constant 10000 : i32
      %mul3A_143 = arith.muli %add3A_22, %mul3A_142 : i32
      %add3A_144 = vector.broadcast %mul3A_143 : i32 to vector<16xi32>
      %add3A_145 = arith.addi %get3A_141, %add3A_144 : vector<16xi32>
      %swap3A_146 = arith.constant 32 : index
      %swap3A_147 = tpu.vector_load %arg9[%swap3A_146] {strides = array<i32>} : memref<80xi32, #tpu.memory_space<vmem>>, vector<16xi32>,
      %swap3A_148 = vector.shape_cast %swap3A_147 : vector<16xi32> to vector<16xi32>
      %swap3A_149 = vector.shape_cast %add3A_145 : vector<16xi32> to vector<16xi32>
      tpu.vector_store %arg9[%swap3A_146], %swap3A_149 {strides = array<i32>} : memref<80xi32, #tpu.memory_space<vmem>>, vector<16xi32>,
      %get3A_150 = arith.constant 48 : index
      %get3A_151 = tpu.vector_load %arg9[%get3A_150] {strides = array<i32>} : memref<80xi32, #tpu.memory_space<vmem>>, vector<16xi32>,
      %get3A_152 = vector.shape_cast %get3A_151 : vector<16xi32> to vector<16xi32>
      %mul3A_153 = arith.constant 10000 : i32
      %mul3A_154 = arith.muli %add3A_22, %mul3A_153 : i32
      %add3A_155 = vector.broadcast %mul3A_154 : i32 to vector<16xi32>
      %add3A_156 = arith.addi %get3A_152, %add3A_155 : vector<16xi32>
      %swap3A_157 = arith.constant 48 : index
      %swap3A_158 = tpu.vector_load %arg9[%swap3A_157] {strides = array<i32>} : memref<80xi32, #tpu.memory_space<vmem>>, vector<16xi32>,
      %swap3A_159 = vector.shape_cast %swap3A_158 : vector<16xi32> to vector<16xi32>
      %swap3A_160 = vector.shape_cast %add3A_156 : vector<16xi32> to vector<16xi32>
      tpu.vector_store %arg9[%swap3A_157], %swap3A_160 {strides = array<i32>} : memref<80xi32, #tpu.memory_space<vmem>>, vector<16xi32>,
      %get3A_161 = arith.constant 64 : index
      %get3A_162 = tpu.vector_load %arg9[%get3A_161] {strides = array<i32>} : memref<80xi32, #tpu.memory_space<vmem>>, vector<16xi32>,
      %get3A_163 = vector.shape_cast %get3A_162 : vector<16xi32> to vector<16xi32>
      %mul3A_164 = arith.constant 10000 : i32
      %mul3A_165 = arith.muli %add3A_22, %mul3A_164 : i32
      %add3A_166 = vector.broadcast %mul3A_165 : i32 to vector<16xi32>
      %add3A_167 = arith.addi %get3A_163, %add3A_166 : vector<16xi32>
      %swap3A_168 = arith.constant 64 : index
      %swap3A_169 = tpu.vector_load %arg9[%swap3A_168] {strides = array<i32>} : memref<80xi32, #tpu.memory_space<vmem>>, vector<16xi32>,
      %swap3A_170 = vector.shape_cast %swap3A_169 : vector<16xi32> to vector<16xi32>
      %swap3A_171 = vector.shape_cast %add3A_167 : vector<16xi32> to vector<16xi32>
      tpu.vector_store %arg9[%swap3A_168], %swap3A_171 {strides = array<i32>} : memref<80xi32, #tpu.memory_space<vmem>>, vector<16xi32>,
      %dma_start3A = arith.constant 0 : i32
      %dma_start3A_172 = arith.constant 0 : i32
      %dma_start3A_173 = tpu.memref_slice %arg2[%dma_start3A, %dma_start3A_172] : memref<120000x128xf32, #tpu.memory_space<hbm>> -> memref<120000x128xf32, #tpu.memory_space<hbm>>
      tpu.enqueue_indirect_dma source(%dma_start3A_173 : memref<120000x128xf32, #tpu.memory_space<hbm>>) target(%arg11 : memref<80x128xf32, #tpu.memory_space<vmem>>) offsets(%arg9 : memref<80xi32, #tpu.memory_space<vmem>>) semaphore(%arg12 : memref<!tpu.dma_semaphore, #tpu.memory_space<semaphore_mem>>)
      %dma_wait3A = arith.constant 0 : i32
      %dma_wait3A_174 = arith.constant 0 : i32
      %dma_wait3A_175 = tpu.memref_slice %arg2[%dma_wait3A, %dma_wait3A_174] : memref<120000x128xf32, #tpu.memory_space<hbm>> -> memref<120000x128xf32, #tpu.memory_space<hbm>>
      tpu.wait_indirect_dma semaphore(%arg12 : memref<!tpu.dma_semaphore, #tpu.memory_space<semaphore_mem>>) src(%dma_wait3A_175 : memref<120000x128xf32, #tpu.memory_space<hbm>>) dst(%arg11 : memref<80x128xf32, #tpu.memory_space<vmem>>)
      "tpu.region"() ({
        %run_scoped3A = tpu.sem_alloc : memref<!tpu.dma_semaphore, #tpu.memory_space<semaphore_mem>>
        %dma_start3A_176 = arith.constant 0 : i32
        %dma_start3A_177 = arith.constant 0 : i32
        %dma_start3A_178 = tpu.memref_slice %arg8[%dma_start3A_176, %dma_start3A_177] : memref<10000x128xf32, #tpu.memory_space<vmem_shared>> -> memref<10000x128xf32, #tpu.memory_space<vmem_shared>>
        tpu.enqueue_indirect_dma source(%arg11 : memref<80x128xf32, #tpu.memory_space<vmem>>) target(%dma_start3A_178 : memref<10000x128xf32, #tpu.memory_space<vmem_shared>>) offsets(%arg10 : memref<80xi32, #tpu.memory_space<vmem>>) semaphore(%run_scoped3A : memref<!tpu.dma_semaphore, #tpu.memory_space<semaphore_mem>>) {add = true}
        %dma_wait3A_179 = arith.constant 0 : i32
        %dma_wait3A_180 = arith.constant 0 : i32
        %dma_wait3A_181 = tpu.memref_slice %arg8[%dma_wait3A_179, %dma_wait3A_180] : memref<10000x128xf32, #tpu.memory_space<vmem_shared>> -> memref<10000x128xf32, #tpu.memory_space<vmem_shared>>
        tpu.wait_indirect_dma semaphore(%run_scoped3A : memref<!tpu.dma_semaphore, #tpu.memory_space<semaphore_mem>>) src(%arg11 : memref<80x128xf32, #tpu.memory_space<vmem>>) dst(%dma_wait3A_181 : memref<10000x128xf32, #tpu.memory_space<vmem_shared>>)
        tpu.yield
      }) : () -> ()
    }
    %scan3A_34 = arith.constant 250 : i32
    %barrier3A_35 = arith.constant 0 : index
    tpu.barrier barrier_id(%barrier3A_35)
    %lt3A_36 = arith.constant 10 : i32
    %lt3A_37 = arith.cmpi slt, %arg1, %lt3A_36 : i32
    %convert_element_type3A_38 = arith.extui %lt3A_37 : i1 to i32
    %cond3A_39 = arith.constant 0 : i32
    %cond3A_40 = arith.cmpi ne, %convert_element_type3A_38, %cond3A_39 : i32
    scf.if %cond3A_40 {
      %mul3A_115 = arith.constant 10000 : i32
      %mul3A_116 = arith.muli %add3A_22, %mul3A_115 : i32
      %add3A_117 = arith.addi %mul3A_116, %mul3A_2 : i32
      "tpu.region"() ({
        %run_scoped3A = tpu.sem_alloc : memref<!tpu.dma_semaphore, #tpu.memory_space<semaphore_mem>>
        %dma_start3A = arith.constant 0 : i32
        %dma_start3A_118 = tpu.memref_slice %arg7[%add3A_117, %dma_start3A] : memref<100000x128xf32, #tpu.memory_space<hbm>> -> memref<1000x128xf32, #tpu.memory_space<hbm>>
        %dma_start3A_119 = arith.constant 0 : i32
        %dma_start3A_120 = tpu.memref_slice %arg8[%mul3A_2, %dma_start3A_119] : memref<10000x128xf32, #tpu.memory_space<vmem_shared>> -> memref<1000x128xf32, #tpu.memory_space<vmem_shared>>
        tpu.enqueue_dma source(%dma_start3A_120 : memref<1000x128xf32, #tpu.memory_space<vmem_shared>>) target(%dma_start3A_118 : memref<1000x128xf32, #tpu.memory_space<hbm>>) target_semaphore(%run_scoped3A : memref<!tpu.dma_semaphore, #tpu.memory_space<semaphore_mem>>)
        %dma_wait3A = arith.constant 0 : i32
        %dma_wait3A_121 = tpu.memref_slice %arg7[%add3A_117, %dma_wait3A] : memref<100000x128xf32, #tpu.memory_space<hbm>> -> memref<1000x128xf32, #tpu.memory_space<hbm>>
        %dma_wait3A_122 = arith.constant 0 : i32
        %dma_wait3A_123 = tpu.memref_slice %arg8[%mul3A_2, %dma_wait3A_122] : memref<10000x128xf32, #tpu.memory_space<vmem_shared>> -> memref<1000x128xf32, #tpu.memory_space<vmem_shared>>
        tpu.wait_dma2 semaphore(%run_scoped3A : memref<!tpu.dma_semaphore, #tpu.memory_space<semaphore_mem>>) src(%dma_wait3A_123 : memref<1000x128xf32, #tpu.memory_space<vmem_shared>>) dst(%dma_wait3A_121 : memref<1000x128xf32, #tpu.memory_space<hbm>>)
        tpu.yield
      }) : () -> ()
    } else {
    }
    %mul3A_41 = arith.constant 5 : i32
    %mul3A_42 = arith.muli %mul3A_41, %arg0 : i32
    %add3A_43 = arith.constant 2 : i32
    %add3A_44 = arith.addi %add3A_43, %mul3A_42 : i32
    %lt3A_45 = arith.constant 10 : i32
    %lt3A_46 = arith.cmpi slt, %arg1, %lt3A_45 : i32
    %convert_element_type3A_47 = arith.extui %lt3A_46 : i1 to i32
    %cond3A_48 = arith.constant 0 : i32
    %cond3A_49 = arith.cmpi ne, %convert_element_type3A_47, %cond3A_48 : i32
    scf.if %cond3A_49 {
      "tpu.region"() ({
        %run_scoped3A = tpu.sem_alloc : memref<!tpu.dma_semaphore, #tpu.memory_space<semaphore_mem>>
        %dma_start3A = arith.constant 0 : i32
        %dma_start3A_115 = tpu.memref_slice %arg8[%mul3A_2, %dma_start3A] : memref<10000x128xf32, #tpu.memory_space<vmem_shared>> -> memref<1000x128xf32, #tpu.memory_space<vmem_shared>>
        %dma_start3A_116 = arith.constant 0 : i32
        %dma_start3A_117 = tpu.memref_slice %arg5[%mul3A_2, %dma_start3A_116] : memref<10000x128xf32, #tpu.memory_space<hbm>> -> memref<1000x128xf32, #tpu.memory_space<hbm>>
        tpu.enqueue_dma source(%dma_start3A_117 : memref<1000x128xf32, #tpu.memory_space<hbm>>) target(%dma_start3A_115 : memref<1000x128xf32, #tpu.memory_space<vmem_shared>>) target_semaphore(%run_scoped3A : memref<!tpu.dma_semaphore, #tpu.memory_space<semaphore_mem>>)
        %dma_wait3A = arith.constant 0 : i32
        %dma_wait3A_118 = tpu.memref_slice %arg8[%mul3A_2, %dma_wait3A] : memref<10000x128xf32, #tpu.memory_space<vmem_shared>> -> memref<1000x128xf32, #tpu.memory_space<vmem_shared>>
        %dma_wait3A_119 = arith.constant 0 : i32
        %dma_wait3A_120 = tpu.memref_slice %arg5[%mul3A_2, %dma_wait3A_119] : memref<10000x128xf32, #tpu.memory_space<hbm>> -> memref<1000x128xf32, #tpu.memory_space<hbm>>
        tpu.wait_dma2 semaphore(%run_scoped3A : memref<!tpu.dma_semaphore, #tpu.memory_space<semaphore_mem>>) src(%dma_wait3A_120 : memref<1000x128xf32, #tpu.memory_space<hbm>>) dst(%dma_wait3A_118 : memref<1000x128xf32, #tpu.memory_space<vmem_shared>>)
        tpu.yield
      }) : () -> ()
    } else {
    }
    %barrier3A_50 = arith.constant 0 : index
    tpu.barrier barrier_id(%barrier3A_50)
    %scan3A_51 = arith.constant 0 : i32
    %scan3A_52 = arith.constant 0 : i32
    %scan3A_53 = arith.constant 250 : i32
    %scan3A_54 = arith.addi %scan3A_52, %scan3A_53 : i32
    %scan3A_55 = arith.constant 1 : i32
    scf.for %scan3A_115 = %scan3A_52 to %scan3A_54 step %scan3A_55  : i32 {
      %mul3A_116 = arith.constant 80 : i32
      %mul3A_117 = arith.muli %scan3A_115, %mul3A_116 : i32
      %add3A_118 = arith.addi %mul3A_0, %mul3A_117 : i32
      "tpu.region"() ({
        %run_scoped3A = tpu.sem_alloc : memref<!tpu.dma_semaphore, #tpu.memory_space<semaphore_mem>>
        %dma_start3A_176 = tpu.memref_slice %arg3[%add3A_118] : memref<320000xi32, #tpu.memory_space<hbm>> -> memref<80xi32, #tpu.memory_space<hbm>>
        %dma_start3A_177 = tpu.memref_slice %arg3[%add3A_118] : memref<320000xi32, #tpu.memory_space<hbm>> -> memref<80xi32, #tpu.memory_space<hbm>>
        tpu.enqueue_dma source(%dma_start3A_177 : memref<80xi32, #tpu.memory_space<hbm>>) target(%arg9 : memref<80xi32, #tpu.memory_space<vmem>>) target_semaphore(%run_scoped3A : memref<!tpu.dma_semaphore, #tpu.memory_space<semaphore_mem>>)
        %dma_wait3A_178 = tpu.memref_slice %arg3[%add3A_118] : memref<320000xi32, #tpu.memory_space<hbm>> -> memref<80xi32, #tpu.memory_space<hbm>>
        %dma_wait3A_179 = tpu.memref_slice %arg3[%add3A_118] : memref<320000xi32, #tpu.memory_space<hbm>> -> memref<80xi32, #tpu.memory_space<hbm>>
        tpu.wait_dma2 semaphore(%run_scoped3A : memref<!tpu.dma_semaphore, #tpu.memory_space<semaphore_mem>>) src(%dma_wait3A_179 : memref<80xi32, #tpu.memory_space<hbm>>) dst(%arg9 : memref<80xi32, #tpu.memory_space<vmem>>)
        tpu.yield
      }) : () -> ()
      "tpu.region"() ({
        %run_scoped3A = tpu.sem_alloc : memref<!tpu.dma_semaphore, #tpu.memory_space<semaphore_mem>>
        %dma_start3A_176 = tpu.memref_slice %arg4[%add3A_118] : memref<320000xi32, #tpu.memory_space<hbm>> -> memref<80xi32, #tpu.memory_space<hbm>>
        %dma_start3A_177 = tpu.memref_slice %arg4[%add3A_118] : memref<320000xi32, #tpu.memory_space<hbm>> -> memref<80xi32, #tpu.memory_space<hbm>>
        tpu.enqueue_dma source(%dma_start3A_177 : memref<80xi32, #tpu.memory_space<hbm>>) target(%arg10 : memref<80xi32, #tpu.memory_space<vmem>>) target_semaphore(%run_scoped3A : memref<!tpu.dma_semaphore, #tpu.memory_space<semaphore_mem>>)
        %dma_wait3A_178 = tpu.memref_slice %arg4[%add3A_118] : memref<320000xi32, #tpu.memory_space<hbm>> -> memref<80xi32, #tpu.memory_space<hbm>>
        %dma_wait3A_179 = tpu.memref_slice %arg4[%add3A_118] : memref<320000xi32, #tpu.memory_space<hbm>> -> memref<80xi32, #tpu.memory_space<hbm>>
        tpu.wait_dma2 semaphore(%run_scoped3A : memref<!tpu.dma_semaphore, #tpu.memory_space<semaphore_mem>>) src(%dma_wait3A_179 : memref<80xi32, #tpu.memory_space<hbm>>) dst(%arg10 : memref<80xi32, #tpu.memory_space<vmem>>)
        tpu.yield
      }) : () -> ()
      %get3A = arith.constant 0 : index
      %get3A_119 = tpu.vector_load %arg9[%get3A] {strides = array<i32>} : memref<80xi32, #tpu.memory_space<vmem>>, vector<16xi32>,
      %get3A_120 = vector.shape_cast %get3A_119 : vector<16xi32> to vector<16xi32>
      %mul3A_121 = arith.constant 10000 : i32
      %mul3A_122 = arith.muli %add3A_44, %mul3A_121 : i32
      %add3A_123 = vector.broadcast %mul3A_122 : i32 to vector<16xi32>
      %add3A_124 = arith.addi %get3A_120, %add3A_123 : vector<16xi32>
      %swap3A = arith.constant 0 : index
      %swap3A_125 = tpu.vector_load %arg9[%swap3A] {strides = array<i32>} : memref<80xi32, #tpu.memory_space<vmem>>, vector<16xi32>,
      %swap3A_126 = vector.shape_cast %swap3A_125 : vector<16xi32> to vector<16xi32>
      %swap3A_127 = vector.shape_cast %add3A_124 : vector<16xi32> to vector<16xi32>
      tpu.vector_store %arg9[%swap3A], %swap3A_127 {strides = array<i32>} : memref<80xi32, #tpu.memory_space<vmem>>, vector<16xi32>,
      %get3A_128 = arith.constant 16 : index
      %get3A_129 = tpu.vector_load %arg9[%get3A_128] {strides = array<i32>} : memref<80xi32, #tpu.memory_space<vmem>>, vector<16xi32>,
      %get3A_130 = vector.shape_cast %get3A_129 : vector<16xi32> to vector<16xi32>
      %mul3A_131 = arith.constant 10000 : i32
      %mul3A_132 = arith.muli %add3A_44, %mul3A_131 : i32
      %add3A_133 = vector.broadcast %mul3A_132 : i32 to vector<16xi32>
      %add3A_134 = arith.addi %get3A_130, %add3A_133 : vector<16xi32>
      %swap3A_135 = arith.constant 16 : index
      %swap3A_136 = tpu.vector_load %arg9[%swap3A_135] {strides = array<i32>} : memref<80xi32, #tpu.memory_space<vmem>>, vector<16xi32>,
      %swap3A_137 = vector.shape_cast %swap3A_136 : vector<16xi32> to vector<16xi32>
      %swap3A_138 = vector.shape_cast %add3A_134 : vector<16xi32> to vector<16xi32>
      tpu.vector_store %arg9[%swap3A_135], %swap3A_138 {strides = array<i32>} : memref<80xi32, #tpu.memory_space<vmem>>, vector<16xi32>,
      %get3A_139 = arith.constant 32 : index
      %get3A_140 = tpu.vector_load %arg9[%get3A_139] {strides = array<i32>} : memref<80xi32, #tpu.memory_space<vmem>>, vector<16xi32>,
      %get3A_141 = vector.shape_cast %get3A_140 : vector<16xi32> to vector<16xi32>
      %mul3A_142 = arith.constant 10000 : i32
      %mul3A_143 = arith.muli %add3A_44, %mul3A_142 : i32
      %add3A_144 = vector.broadcast %mul3A_143 : i32 to vector<16xi32>
      %add3A_145 = arith.addi %get3A_141, %add3A_144 : vector<16xi32>
      %swap3A_146 = arith.constant 32 : index
      %swap3A_147 = tpu.vector_load %arg9[%swap3A_146] {strides = array<i32>} : memref<80xi32, #tpu.memory_space<vmem>>, vector<16xi32>,
      %swap3A_148 = vector.shape_cast %swap3A_147 : vector<16xi32> to vector<16xi32>
      %swap3A_149 = vector.shape_cast %add3A_145 : vector<16xi32> to vector<16xi32>
      tpu.vector_store %arg9[%swap3A_146], %swap3A_149 {strides = array<i32>} : memref<80xi32, #tpu.memory_space<vmem>>, vector<16xi32>,
      %get3A_150 = arith.constant 48 : index
      %get3A_151 = tpu.vector_load %arg9[%get3A_150] {strides = array<i32>} : memref<80xi32, #tpu.memory_space<vmem>>, vector<16xi32>,
      %get3A_152 = vector.shape_cast %get3A_151 : vector<16xi32> to vector<16xi32>
      %mul3A_153 = arith.constant 10000 : i32
      %mul3A_154 = arith.muli %add3A_44, %mul3A_153 : i32
      %add3A_155 = vector.broadcast %mul3A_154 : i32 to vector<16xi32>
      %add3A_156 = arith.addi %get3A_152, %add3A_155 : vector<16xi32>
      %swap3A_157 = arith.constant 48 : index
      %swap3A_158 = tpu.vector_load %arg9[%swap3A_157] {strides = array<i32>} : memref<80xi32, #tpu.memory_space<vmem>>, vector<16xi32>,
      %swap3A_159 = vector.shape_cast %swap3A_158 : vector<16xi32> to vector<16xi32>
      %swap3A_160 = vector.shape_cast %add3A_156 : vector<16xi32> to vector<16xi32>
      tpu.vector_store %arg9[%swap3A_157], %swap3A_160 {strides = array<i32>} : memref<80xi32, #tpu.memory_space<vmem>>, vector<16xi32>,
      %get3A_161 = arith.constant 64 : index
      %get3A_162 = tpu.vector_load %arg9[%get3A_161] {strides = array<i32>} : memref<80xi32, #tpu.memory_space<vmem>>, vector<16xi32>,
      %get3A_163 = vector.shape_cast %get3A_162 : vector<16xi32> to vector<16xi32>
      %mul3A_164 = arith.constant 10000 : i32
      %mul3A_165 = arith.muli %add3A_44, %mul3A_164 : i32
      %add3A_166 = vector.broadcast %mul3A_165 : i32 to vector<16xi32>
      %add3A_167 = arith.addi %get3A_163, %add3A_166 : vector<16xi32>
      %swap3A_168 = arith.constant 64 : index
      %swap3A_169 = tpu.vector_load %arg9[%swap3A_168] {strides = array<i32>} : memref<80xi32, #tpu.memory_space<vmem>>, vector<16xi32>,
      %swap3A_170 = vector.shape_cast %swap3A_169 : vector<16xi32> to vector<16xi32>
      %swap3A_171 = vector.shape_cast %add3A_167 : vector<16xi32> to vector<16xi32>
      tpu.vector_store %arg9[%swap3A_168], %swap3A_171 {strides = array<i32>} : memref<80xi32, #tpu.memory_space<vmem>>, vector<16xi32>,
      %dma_start3A = arith.constant 0 : i32
      %dma_start3A_172 = arith.constant 0 : i32
      %dma_start3A_173 = tpu.memref_slice %arg2[%dma_start3A, %dma_start3A_172] : memref<120000x128xf32, #tpu.memory_space<hbm>> -> memref<120000x128xf32, #tpu.memory_space<hbm>>
      tpu.enqueue_indirect_dma source(%dma_start3A_173 : memref<120000x128xf32, #tpu.memory_space<hbm>>) target(%arg11 : memref<80x128xf32, #tpu.memory_space<vmem>>) offsets(%arg9 : memref<80xi32, #tpu.memory_space<vmem>>) semaphore(%arg12 : memref<!tpu.dma_semaphore, #tpu.memory_space<semaphore_mem>>)
      %dma_wait3A = arith.constant 0 : i32
      %dma_wait3A_174 = arith.constant 0 : i32
      %dma_wait3A_175 = tpu.memref_slice %arg2[%dma_wait3A, %dma_wait3A_174] : memref<120000x128xf32, #tpu.memory_space<hbm>> -> memref<120000x128xf32, #tpu.memory_space<hbm>>
      tpu.wait_indirect_dma semaphore(%arg12 : memref<!tpu.dma_semaphore, #tpu.memory_space<semaphore_mem>>) src(%dma_wait3A_175 : memref<120000x128xf32, #tpu.memory_space<hbm>>) dst(%arg11 : memref<80x128xf32, #tpu.memory_space<vmem>>)
      "tpu.region"() ({
        %run_scoped3A = tpu.sem_alloc : memref<!tpu.dma_semaphore, #tpu.memory_space<semaphore_mem>>
        %dma_start3A_176 = arith.constant 0 : i32
        %dma_start3A_177 = arith.constant 0 : i32
        %dma_start3A_178 = tpu.memref_slice %arg8[%dma_start3A_176, %dma_start3A_177] : memref<10000x128xf32, #tpu.memory_space<vmem_shared>> -> memref<10000x128xf32, #tpu.memory_space<vmem_shared>>
        tpu.enqueue_indirect_dma source(%arg11 : memref<80x128xf32, #tpu.memory_space<vmem>>) target(%dma_start3A_178 : memref<10000x128xf32, #tpu.memory_space<vmem_shared>>) offsets(%arg10 : memref<80xi32, #tpu.memory_space<vmem>>) semaphore(%run_scoped3A : memref<!tpu.dma_semaphore, #tpu.memory_space<semaphore_mem>>) {add = true}
        %dma_wait3A_179 = arith.constant 0 : i32
        %dma_wait3A_180 = arith.constant 0 : i32
        %dma_wait3A_181 = tpu.memref_slice %arg8[%dma_wait3A_179, %dma_wait3A_180] : memref<10000x128xf32, #tpu.memory_space<vmem_shared>> -> memref<10000x128xf32, #tpu.memory_space<vmem_shared>>
        tpu.wait_indirect_dma semaphore(%run_scoped3A : memref<!tpu.dma_semaphore, #tpu.memory_space<semaphore_mem>>) src(%arg11 : memref<80x128xf32, #tpu.memory_space<vmem>>) dst(%dma_wait3A_181 : memref<10000x128xf32, #tpu.memory_space<vmem_shared>>)
        tpu.yield
      }) : () -> ()
    }
    %scan3A_56 = arith.constant 250 : i32
    %barrier3A_57 = arith.constant 0 : index
    tpu.barrier barrier_id(%barrier3A_57)
    %lt3A_58 = arith.constant 10 : i32
    %lt3A_59 = arith.cmpi slt, %arg1, %lt3A_58 : i32
    %convert_element_type3A_60 = arith.extui %lt3A_59 : i1 to i32
    %cond3A_61 = arith.constant 0 : i32
    %cond3A_62 = arith.cmpi ne, %convert_element_type3A_60, %cond3A_61 : i32
    scf.if %cond3A_62 {
      %mul3A_115 = arith.constant 10000 : i32
      %mul3A_116 = arith.muli %add3A_44, %mul3A_115 : i32
      %add3A_117 = arith.addi %mul3A_116, %mul3A_2 : i32
      "tpu.region"() ({
        %run_scoped3A = tpu.sem_alloc : memref<!tpu.dma_semaphore, #tpu.memory_space<semaphore_mem>>
        %dma_start3A = arith.constant 0 : i32
        %dma_start3A_118 = tpu.memref_slice %arg7[%add3A_117, %dma_start3A] : memref<100000x128xf32, #tpu.memory_space<hbm>> -> memref<1000x128xf32, #tpu.memory_space<hbm>>
        %dma_start3A_119 = arith.constant 0 : i32
        %dma_start3A_120 = tpu.memref_slice %arg8[%mul3A_2, %dma_start3A_119] : memref<10000x128xf32, #tpu.memory_space<vmem_shared>> -> memref<1000x128xf32, #tpu.memory_space<vmem_shared>>
        tpu.enqueue_dma source(%dma_start3A_120 : memref<1000x128xf32, #tpu.memory_space<vmem_shared>>) target(%dma_start3A_118 : memref<1000x128xf32, #tpu.memory_space<hbm>>) target_semaphore(%run_scoped3A : memref<!tpu.dma_semaphore, #tpu.memory_space<semaphore_mem>>)
        %dma_wait3A = arith.constant 0 : i32
        %dma_wait3A_121 = tpu.memref_slice %arg7[%add3A_117, %dma_wait3A] : memref<100000x128xf32, #tpu.memory_space<hbm>> -> memref<1000x128xf32, #tpu.memory_space<hbm>>
        %dma_wait3A_122 = arith.constant 0 : i32
        %dma_wait3A_123 = tpu.memref_slice %arg8[%mul3A_2, %dma_wait3A_122] : memref<10000x128xf32, #tpu.memory_space<vmem_shared>> -> memref<1000x128xf32, #tpu.memory_space<vmem_shared>>
        tpu.wait_dma2 semaphore(%run_scoped3A : memref<!tpu.dma_semaphore, #tpu.memory_space<semaphore_mem>>) src(%dma_wait3A_123 : memref<1000x128xf32, #tpu.memory_space<vmem_shared>>) dst(%dma_wait3A_121 : memref<1000x128xf32, #tpu.memory_space<hbm>>)
        tpu.yield
      }) : () -> ()
    } else {
    }
    %mul3A_63 = arith.constant 5 : i32
    %mul3A_64 = arith.muli %mul3A_63, %arg0 : i32
    %add3A_65 = arith.constant 3 : i32
    %add3A_66 = arith.addi %add3A_65, %mul3A_64 : i32
    %lt3A_67 = arith.constant 10 : i32
    %lt3A_68 = arith.cmpi slt, %arg1, %lt3A_67 : i32
    %convert_element_type3A_69 = arith.extui %lt3A_68 : i1 to i32
    %cond3A_70 = arith.constant 0 : i32
    %cond3A_71 = arith.cmpi ne, %convert_element_type3A_69, %cond3A_70 : i32
    scf.if %cond3A_71 {
      "tpu.region"() ({
        %run_scoped3A = tpu.sem_alloc : memref<!tpu.dma_semaphore, #tpu.memory_space<semaphore_mem>>
        %dma_start3A = arith.constant 0 : i32
        %dma_start3A_115 = tpu.memref_slice %arg8[%mul3A_2, %dma_start3A] : memref<10000x128xf32, #tpu.memory_space<vmem_shared>> -> memref<1000x128xf32, #tpu.memory_space<vmem_shared>>
        %dma_start3A_116 = arith.constant 0 : i32
        %dma_start3A_117 = tpu.memref_slice %arg5[%mul3A_2, %dma_start3A_116] : memref<10000x128xf32, #tpu.memory_space<hbm>> -> memref<1000x128xf32, #tpu.memory_space<hbm>>
        tpu.enqueue_dma source(%dma_start3A_117 : memref<1000x128xf32, #tpu.memory_space<hbm>>) target(%dma_start3A_115 : memref<1000x128xf32, #tpu.memory_space<vmem_shared>>) target_semaphore(%run_scoped3A : memref<!tpu.dma_semaphore, #tpu.memory_space<semaphore_mem>>)
        %dma_wait3A = arith.constant 0 : i32
        %dma_wait3A_118 = tpu.memref_slice %arg8[%mul3A_2, %dma_wait3A] : memref<10000x128xf32, #tpu.memory_space<vmem_shared>> -> memref<1000x128xf32, #tpu.memory_space<vmem_shared>>
        %dma_wait3A_119 = arith.constant 0 : i32
        %dma_wait3A_120 = tpu.memref_slice %arg5[%mul3A_2, %dma_wait3A_119] : memref<10000x128xf32, #tpu.memory_space<hbm>> -> memref<1000x128xf32, #tpu.memory_space<hbm>>
        tpu.wait_dma2 semaphore(%run_scoped3A : memref<!tpu.dma_semaphore, #tpu.memory_space<semaphore_mem>>) src(%dma_wait3A_120 : memref<1000x128xf32, #tpu.memory_space<hbm>>) dst(%dma_wait3A_118 : memref<1000x128xf32, #tpu.memory_space<vmem_shared>>)
        tpu.yield
      }) : () -> ()
    } else {
    }
    %barrier3A_72 = arith.constant 0 : index
    tpu.barrier barrier_id(%barrier3A_72)
    %scan3A_73 = arith.constant 0 : i32
    %scan3A_74 = arith.constant 0 : i32
    %scan3A_75 = arith.constant 250 : i32
    %scan3A_76 = arith.addi %scan3A_74, %scan3A_75 : i32
    %scan3A_77 = arith.constant 1 : i32
    scf.for %scan3A_115 = %scan3A_74 to %scan3A_76 step %scan3A_77  : i32 {
      %mul3A_116 = arith.constant 80 : i32
      %mul3A_117 = arith.muli %scan3A_115, %mul3A_116 : i32
      %add3A_118 = arith.addi %mul3A_0, %mul3A_117 : i32
      "tpu.region"() ({
        %run_scoped3A = tpu.sem_alloc : memref<!tpu.dma_semaphore, #tpu.memory_space<semaphore_mem>>
        %dma_start3A_176 = tpu.memref_slice %arg3[%add3A_118] : memref<320000xi32, #tpu.memory_space<hbm>> -> memref<80xi32, #tpu.memory_space<hbm>>
        %dma_start3A_177 = tpu.memref_slice %arg3[%add3A_118] : memref<320000xi32, #tpu.memory_space<hbm>> -> memref<80xi32, #tpu.memory_space<hbm>>
        tpu.enqueue_dma source(%dma_start3A_177 : memref<80xi32, #tpu.memory_space<hbm>>) target(%arg9 : memref<80xi32, #tpu.memory_space<vmem>>) target_semaphore(%run_scoped3A : memref<!tpu.dma_semaphore, #tpu.memory_space<semaphore_mem>>)
        %dma_wait3A_178 = tpu.memref_slice %arg3[%add3A_118] : memref<320000xi32, #tpu.memory_space<hbm>> -> memref<80xi32, #tpu.memory_space<hbm>>
        %dma_wait3A_179 = tpu.memref_slice %arg3[%add3A_118] : memref<320000xi32, #tpu.memory_space<hbm>> -> memref<80xi32, #tpu.memory_space<hbm>>
        tpu.wait_dma2 semaphore(%run_scoped3A : memref<!tpu.dma_semaphore, #tpu.memory_space<semaphore_mem>>) src(%dma_wait3A_179 : memref<80xi32, #tpu.memory_space<hbm>>) dst(%arg9 : memref<80xi32, #tpu.memory_space<vmem>>)
        tpu.yield
      }) : () -> ()
      "tpu.region"() ({
        %run_scoped3A = tpu.sem_alloc : memref<!tpu.dma_semaphore, #tpu.memory_space<semaphore_mem>>
        %dma_start3A_176 = tpu.memref_slice %arg4[%add3A_118] : memref<320000xi32, #tpu.memory_space<hbm>> -> memref<80xi32, #tpu.memory_space<hbm>>
        %dma_start3A_177 = tpu.memref_slice %arg4[%add3A_118] : memref<320000xi32, #tpu.memory_space<hbm>> -> memref<80xi32, #tpu.memory_space<hbm>>
        tpu.enqueue_dma source(%dma_start3A_177 : memref<80xi32, #tpu.memory_space<hbm>>) target(%arg10 : memref<80xi32, #tpu.memory_space<vmem>>) target_semaphore(%run_scoped3A : memref<!tpu.dma_semaphore, #tpu.memory_space<semaphore_mem>>)
        %dma_wait3A_178 = tpu.memref_slice %arg4[%add3A_118] : memref<320000xi32, #tpu.memory_space<hbm>> -> memref<80xi32, #tpu.memory_space<hbm>>
        %dma_wait3A_179 = tpu.memref_slice %arg4[%add3A_118] : memref<320000xi32, #tpu.memory_space<hbm>> -> memref<80xi32, #tpu.memory_space<hbm>>
        tpu.wait_dma2 semaphore(%run_scoped3A : memref<!tpu.dma_semaphore, #tpu.memory_space<semaphore_mem>>) src(%dma_wait3A_179 : memref<80xi32, #tpu.memory_space<hbm>>) dst(%arg10 : memref<80xi32, #tpu.memory_space<vmem>>)
        tpu.yield
      }) : () -> ()
      %get3A = arith.constant 0 : index
      %get3A_119 = tpu.vector_load %arg9[%get3A] {strides = array<i32>} : memref<80xi32, #tpu.memory_space<vmem>>, vector<16xi32>,
      %get3A_120 = vector.shape_cast %get3A_119 : vector<16xi32> to vector<16xi32>
      %mul3A_121 = arith.constant 10000 : i32
      %mul3A_122 = arith.muli %add3A_66, %mul3A_121 : i32
      %add3A_123 = vector.broadcast %mul3A_122 : i32 to vector<16xi32>
      %add3A_124 = arith.addi %get3A_120, %add3A_123 : vector<16xi32>
      %swap3A = arith.constant 0 : index
      %swap3A_125 = tpu.vector_load %arg9[%swap3A] {strides = array<i32>} : memref<80xi32, #tpu.memory_space<vmem>>, vector<16xi32>,
      %swap3A_126 = vector.shape_cast %swap3A_125 : vector<16xi32> to vector<16xi32>
      %swap3A_127 = vector.shape_cast %add3A_124 : vector<16xi32> to vector<16xi32>
      tpu.vector_store %arg9[%swap3A], %swap3A_127 {strides = array<i32>} : memref<80xi32, #tpu.memory_space<vmem>>, vector<16xi32>,
      %get3A_128 = arith.constant 16 : index
      %get3A_129 = tpu.vector_load %arg9[%get3A_128] {strides = array<i32>} : memref<80xi32, #tpu.memory_space<vmem>>, vector<16xi32>,
      %get3A_130 = vector.shape_cast %get3A_129 : vector<16xi32> to vector<16xi32>
      %mul3A_131 = arith.constant 10000 : i32
      %mul3A_132 = arith.muli %add3A_66, %mul3A_131 : i32
      %add3A_133 = vector.broadcast %mul3A_132 : i32 to vector<16xi32>
      %add3A_134 = arith.addi %get3A_130, %add3A_133 : vector<16xi32>
      %swap3A_135 = arith.constant 16 : index
      %swap3A_136 = tpu.vector_load %arg9[%swap3A_135] {strides = array<i32>} : memref<80xi32, #tpu.memory_space<vmem>>, vector<16xi32>,
      %swap3A_137 = vector.shape_cast %swap3A_136 : vector<16xi32> to vector<16xi32>
      %swap3A_138 = vector.shape_cast %add3A_134 : vector<16xi32> to vector<16xi32>
      tpu.vector_store %arg9[%swap3A_135], %swap3A_138 {strides = array<i32>} : memref<80xi32, #tpu.memory_space<vmem>>, vector<16xi32>,
      %get3A_139 = arith.constant 32 : index
      %get3A_140 = tpu.vector_load %arg9[%get3A_139] {strides = array<i32>} : memref<80xi32, #tpu.memory_space<vmem>>, vector<16xi32>,
      %get3A_141 = vector.shape_cast %get3A_140 : vector<16xi32> to vector<16xi32>
      %mul3A_142 = arith.constant 10000 : i32
      %mul3A_143 = arith.muli %add3A_66, %mul3A_142 : i32
      %add3A_144 = vector.broadcast %mul3A_143 : i32 to vector<16xi32>
      %add3A_145 = arith.addi %get3A_141, %add3A_144 : vector<16xi32>
      %swap3A_146 = arith.constant 32 : index
      %swap3A_147 = tpu.vector_load %arg9[%swap3A_146] {strides = array<i32>} : memref<80xi32, #tpu.memory_space<vmem>>, vector<16xi32>,
      %swap3A_148 = vector.shape_cast %swap3A_147 : vector<16xi32> to vector<16xi32>
      %swap3A_149 = vector.shape_cast %add3A_145 : vector<16xi32> to vector<16xi32>
      tpu.vector_store %arg9[%swap3A_146], %swap3A_149 {strides = array<i32>} : memref<80xi32, #tpu.memory_space<vmem>>, vector<16xi32>,
      %get3A_150 = arith.constant 48 : index
      %get3A_151 = tpu.vector_load %arg9[%get3A_150] {strides = array<i32>} : memref<80xi32, #tpu.memory_space<vmem>>, vector<16xi32>,
      %get3A_152 = vector.shape_cast %get3A_151 : vector<16xi32> to vector<16xi32>
      %mul3A_153 = arith.constant 10000 : i32
      %mul3A_154 = arith.muli %add3A_66, %mul3A_153 : i32
      %add3A_155 = vector.broadcast %mul3A_154 : i32 to vector<16xi32>
      %add3A_156 = arith.addi %get3A_152, %add3A_155 : vector<16xi32>
      %swap3A_157 = arith.constant 48 : index
      %swap3A_158 = tpu.vector_load %arg9[%swap3A_157] {strides = array<i32>} : memref<80xi32, #tpu.memory_space<vmem>>, vector<16xi32>,
      %swap3A_159 = vector.shape_cast %swap3A_158 : vector<16xi32> to vector<16xi32>
      %swap3A_160 = vector.shape_cast %add3A_156 : vector<16xi32> to vector<16xi32>
      tpu.vector_store %arg9[%swap3A_157], %swap3A_160 {strides = array<i32>} : memref<80xi32, #tpu.memory_space<vmem>>, vector<16xi32>,
      %get3A_161 = arith.constant 64 : index
      %get3A_162 = tpu.vector_load %arg9[%get3A_161] {strides = array<i32>} : memref<80xi32, #tpu.memory_space<vmem>>, vector<16xi32>,
      %get3A_163 = vector.shape_cast %get3A_162 : vector<16xi32> to vector<16xi32>
      %mul3A_164 = arith.constant 10000 : i32
      %mul3A_165 = arith.muli %add3A_66, %mul3A_164 : i32
      %add3A_166 = vector.broadcast %mul3A_165 : i32 to vector<16xi32>
      %add3A_167 = arith.addi %get3A_163, %add3A_166 : vector<16xi32>
      %swap3A_168 = arith.constant 64 : index
      %swap3A_169 = tpu.vector_load %arg9[%swap3A_168] {strides = array<i32>} : memref<80xi32, #tpu.memory_space<vmem>>, vector<16xi32>,
      %swap3A_170 = vector.shape_cast %swap3A_169 : vector<16xi32> to vector<16xi32>
      %swap3A_171 = vector.shape_cast %add3A_167 : vector<16xi32> to vector<16xi32>
      tpu.vector_store %arg9[%swap3A_168], %swap3A_171 {strides = array<i32>} : memref<80xi32, #tpu.memory_space<vmem>>, vector<16xi32>,
      %dma_start3A = arith.constant 0 : i32
      %dma_start3A_172 = arith.constant 0 : i32
      %dma_start3A_173 = tpu.memref_slice %arg2[%dma_start3A, %dma_start3A_172] : memref<120000x128xf32, #tpu.memory_space<hbm>> -> memref<120000x128xf32, #tpu.memory_space<hbm>>
      tpu.enqueue_indirect_dma source(%dma_start3A_173 : memref<120000x128xf32, #tpu.memory_space<hbm>>) target(%arg11 : memref<80x128xf32, #tpu.memory_space<vmem>>) offsets(%arg9 : memref<80xi32, #tpu.memory_space<vmem>>) semaphore(%arg12 : memref<!tpu.dma_semaphore, #tpu.memory_space<semaphore_mem>>)
      %dma_wait3A = arith.constant 0 : i32
      %dma_wait3A_174 = arith.constant 0 : i32
      %dma_wait3A_175 = tpu.memref_slice %arg2[%dma_wait3A, %dma_wait3A_174] : memref<120000x128xf32, #tpu.memory_space<hbm>> -> memref<120000x128xf32, #tpu.memory_space<hbm>>
      tpu.wait_indirect_dma semaphore(%arg12 : memref<!tpu.dma_semaphore, #tpu.memory_space<semaphore_mem>>) src(%dma_wait3A_175 : memref<120000x128xf32, #tpu.memory_space<hbm>>) dst(%arg11 : memref<80x128xf32, #tpu.memory_space<vmem>>)
      "tpu.region"() ({
        %run_scoped3A = tpu.sem_alloc : memref<!tpu.dma_semaphore, #tpu.memory_space<semaphore_mem>>
        %dma_start3A_176 = arith.constant 0 : i32
        %dma_start3A_177 = arith.constant 0 : i32
        %dma_start3A_178 = tpu.memref_slice %arg8[%dma_start3A_176, %dma_start3A_177] : memref<10000x128xf32, #tpu.memory_space<vmem_shared>> -> memref<10000x128xf32, #tpu.memory_space<vmem_shared>>
        tpu.enqueue_indirect_dma source(%arg11 : memref<80x128xf32, #tpu.memory_space<vmem>>) target(%dma_start3A_178 : memref<10000x128xf32, #tpu.memory_space<vmem_shared>>) offsets(%arg10 : memref<80xi32, #tpu.memory_space<vmem>>) semaphore(%run_scoped3A : memref<!tpu.dma_semaphore, #tpu.memory_space<semaphore_mem>>) {add = true}
        %dma_wait3A_179 = arith.constant 0 : i32
        %dma_wait3A_180 = arith.constant 0 : i32
        %dma_wait3A_181 = tpu.memref_slice %arg8[%dma_wait3A_179, %dma_wait3A_180] : memref<10000x128xf32, #tpu.memory_space<vmem_shared>> -> memref<10000x128xf32, #tpu.memory_space<vmem_shared>>
        tpu.wait_indirect_dma semaphore(%run_scoped3A : memref<!tpu.dma_semaphore, #tpu.memory_space<semaphore_mem>>) src(%arg11 : memref<80x128xf32, #tpu.memory_space<vmem>>) dst(%dma_wait3A_181 : memref<10000x128xf32, #tpu.memory_space<vmem_shared>>)
        tpu.yield
      }) : () -> ()
    }
    %scan3A_78 = arith.constant 250 : i32
    %barrier3A_79 = arith.constant 0 : index
    tpu.barrier barrier_id(%barrier3A_79)
    %lt3A_80 = arith.constant 10 : i32
    %lt3A_81 = arith.cmpi slt, %arg1, %lt3A_80 : i32
    %convert_element_type3A_82 = arith.extui %lt3A_81 : i1 to i32
    %cond3A_83 = arith.constant 0 : i32
    %cond3A_84 = arith.cmpi ne, %convert_element_type3A_82, %cond3A_83 : i32
    scf.if %cond3A_84 {
      %mul3A_115 = arith.constant 10000 : i32
      %mul3A_116 = arith.muli %add3A_66, %mul3A_115 : i32
      %add3A_117 = arith.addi %mul3A_116, %mul3A_2 : i32
      "tpu.region"() ({
        %run_scoped3A = tpu.sem_alloc : memref<!tpu.dma_semaphore, #tpu.memory_space<semaphore_mem>>
        %dma_start3A = arith.constant 0 : i32
        %dma_start3A_118 = tpu.memref_slice %arg7[%add3A_117, %dma_start3A] : memref<100000x128xf32, #tpu.memory_space<hbm>> -> memref<1000x128xf32, #tpu.memory_space<hbm>>
        %dma_start3A_119 = arith.constant 0 : i32
        %dma_start3A_120 = tpu.memref_slice %arg8[%mul3A_2, %dma_start3A_119] : memref<10000x128xf32, #tpu.memory_space<vmem_shared>> -> memref<1000x128xf32, #tpu.memory_space<vmem_shared>>
        tpu.enqueue_dma source(%dma_start3A_120 : memref<1000x128xf32, #tpu.memory_space<vmem_shared>>) target(%dma_start3A_118 : memref<1000x128xf32, #tpu.memory_space<hbm>>) target_semaphore(%run_scoped3A : memref<!tpu.dma_semaphore, #tpu.memory_space<semaphore_mem>>)
        %dma_wait3A = arith.constant 0 : i32
        %dma_wait3A_121 = tpu.memref_slice %arg7[%add3A_117, %dma_wait3A] : memref<100000x128xf32, #tpu.memory_space<hbm>> -> memref<1000x128xf32, #tpu.memory_space<hbm>>
        %dma_wait3A_122 = arith.constant 0 : i32
        %dma_wait3A_123 = tpu.memref_slice %arg8[%mul3A_2, %dma_wait3A_122] : memref<10000x128xf32, #tpu.memory_space<vmem_shared>> -> memref<1000x128xf32, #tpu.memory_space<vmem_shared>>
        tpu.wait_dma2 semaphore(%run_scoped3A : memref<!tpu.dma_semaphore, #tpu.memory_space<semaphore_mem>>) src(%dma_wait3A_123 : memref<1000x128xf32, #tpu.memory_space<vmem_shared>>) dst(%dma_wait3A_121 : memref<1000x128xf32, #tpu.memory_space<hbm>>)
        tpu.yield
      }) : () -> ()
    } else {
    }
    %mul3A_85 = arith.constant 5 : i32
    %mul3A_86 = arith.muli %mul3A_85, %arg0 : i32
    %add3A_87 = arith.constant 4 : i32
    %add3A_88 = arith.addi %add3A_87, %mul3A_86 : i32
    %lt3A_89 = arith.constant 10 : i32
    %lt3A_90 = arith.cmpi slt, %arg1, %lt3A_89 : i32
    %convert_element_type3A_91 = arith.extui %lt3A_90 : i1 to i32
    %cond3A_92 = arith.constant 0 : i32
    %cond3A_93 = arith.cmpi ne, %convert_element_type3A_91, %cond3A_92 : i32
    scf.if %cond3A_93 {
      "tpu.region"() ({
        %run_scoped3A = tpu.sem_alloc : memref<!tpu.dma_semaphore, #tpu.memory_space<semaphore_mem>>
        %dma_start3A = arith.constant 0 : i32
        %dma_start3A_115 = tpu.memref_slice %arg8[%mul3A_2, %dma_start3A] : memref<10000x128xf32, #tpu.memory_space<vmem_shared>> -> memref<1000x128xf32, #tpu.memory_space<vmem_shared>>
        %dma_start3A_116 = arith.constant 0 : i32
        %dma_start3A_117 = tpu.memref_slice %arg5[%mul3A_2, %dma_start3A_116] : memref<10000x128xf32, #tpu.memory_space<hbm>> -> memref<1000x128xf32, #tpu.memory_space<hbm>>
        tpu.enqueue_dma source(%dma_start3A_117 : memref<1000x128xf32, #tpu.memory_space<hbm>>) target(%dma_start3A_115 : memref<1000x128xf32, #tpu.memory_space<vmem_shared>>) target_semaphore(%run_scoped3A : memref<!tpu.dma_semaphore, #tpu.memory_space<semaphore_mem>>)
        %dma_wait3A = arith.constant 0 : i32
        %dma_wait3A_118 = tpu.memref_slice %arg8[%mul3A_2, %dma_wait3A] : memref<10000x128xf32, #tpu.memory_space<vmem_shared>> -> memref<1000x128xf32, #tpu.memory_space<vmem_shared>>
        %dma_wait3A_119 = arith.constant 0 : i32
        %dma_wait3A_120 = tpu.memref_slice %arg5[%mul3A_2, %dma_wait3A_119] : memref<10000x128xf32, #tpu.memory_space<hbm>> -> memref<1000x128xf32, #tpu.memory_space<hbm>>
        tpu.wait_dma2 semaphore(%run_scoped3A : memref<!tpu.dma_semaphore, #tpu.memory_space<semaphore_mem>>) src(%dma_wait3A_120 : memref<1000x128xf32, #tpu.memory_space<hbm>>) dst(%dma_wait3A_118 : memref<1000x128xf32, #tpu.memory_space<vmem_shared>>)
        tpu.yield
      }) : () -> ()
    } else {
    }
    %eq3A = arith.constant 1 : i32
    %eq3A_94 = arith.cmpi eq, %arg0, %eq3A : i32
    %convert_element_type3A_95 = arith.extui %eq3A_94 : i1 to i32
    %cond3A_96 = arith.constant 0 : i32
    %cond3A_97 = arith.cmpi ne, %convert_element_type3A_95, %cond3A_96 : i32
    scf.if %cond3A_97 {
      "tpu.region"() ({
        %run_scoped3A = tpu.sem_alloc : memref<!tpu.dma_semaphore, #tpu.memory_space<semaphore_mem>>
        tpu.enqueue_dma source(%arg6 : memref<80x128xf32, #tpu.memory_space<hbm>>) target(%arg11 : memref<80x128xf32, #tpu.memory_space<vmem>>) target_semaphore(%run_scoped3A : memref<!tpu.dma_semaphore, #tpu.memory_space<semaphore_mem>>)
        tpu.wait_dma2 semaphore(%run_scoped3A : memref<!tpu.dma_semaphore, #tpu.memory_space<semaphore_mem>>) src(%arg6 : memref<80x128xf32, #tpu.memory_space<hbm>>) dst(%arg11 : memref<80x128xf32, #tpu.memory_space<vmem>>)
        tpu.yield
      }) : () -> ()
    } else {
    }
    %barrier3A_98 = arith.constant 0 : index
    tpu.barrier barrier_id(%barrier3A_98)
    %eq3A_99 = arith.constant 0 : i32
    %eq3A_100 = arith.cmpi eq, %arg0, %eq3A_99 : i32
    %convert_element_type3A_101 = arith.extui %eq3A_100 : i1 to i32
    %cond3A_102 = arith.constant 0 : i32
    %cond3A_103 = arith.cmpi ne, %convert_element_type3A_101, %cond3A_102 : i32
    scf.if %cond3A_103 {
      %scan3A_115 = arith.constant 0 : i32
      %scan3A_116 = arith.constant 0 : i32
      %scan3A_117 = arith.constant 250 : i32
      %scan3A_118 = arith.addi %scan3A_116, %scan3A_117 : i32
      %scan3A_119 = arith.constant 1 : i32
      scf.for %scan3A_121 = %scan3A_116 to %scan3A_118 step %scan3A_119  : i32 {
        %mul3A_122 = arith.constant 80 : i32
        %mul3A_123 = arith.muli %scan3A_121, %mul3A_122 : i32
        %add3A_124 = arith.addi %mul3A_0, %mul3A_123 : i32
        "tpu.region"() ({
          %run_scoped3A = tpu.sem_alloc : memref<!tpu.dma_semaphore, #tpu.memory_space<semaphore_mem>>
          %dma_start3A_182 = tpu.memref_slice %arg3[%add3A_124] : memref<320000xi32, #tpu.memory_space<hbm>> -> memref<80xi32, #tpu.memory_space<hbm>>
          %dma_start3A_183 = tpu.memref_slice %arg3[%add3A_124] : memref<320000xi32, #tpu.memory_space<hbm>> -> memref<80xi32, #tpu.memory_space<hbm>>
          tpu.enqueue_dma source(%dma_start3A_183 : memref<80xi32, #tpu.memory_space<hbm>>) target(%arg9 : memref<80xi32, #tpu.memory_space<vmem>>) target_semaphore(%run_scoped3A : memref<!tpu.dma_semaphore, #tpu.memory_space<semaphore_mem>>)
          %dma_wait3A_184 = tpu.memref_slice %arg3[%add3A_124] : memref<320000xi32, #tpu.memory_space<hbm>> -> memref<80xi32, #tpu.memory_space<hbm>>
          %dma_wait3A_185 = tpu.memref_slice %arg3[%add3A_124] : memref<320000xi32, #tpu.memory_space<hbm>> -> memref<80xi32, #tpu.memory_space<hbm>>
          tpu.wait_dma2 semaphore(%run_scoped3A : memref<!tpu.dma_semaphore, #tpu.memory_space<semaphore_mem>>) src(%dma_wait3A_185 : memref<80xi32, #tpu.memory_space<hbm>>) dst(%arg9 : memref<80xi32, #tpu.memory_space<vmem>>)
          tpu.yield
        }) : () -> ()
        "tpu.region"() ({
          %run_scoped3A = tpu.sem_alloc : memref<!tpu.dma_semaphore, #tpu.memory_space<semaphore_mem>>
          %dma_start3A_182 = tpu.memref_slice %arg4[%add3A_124] : memref<320000xi32, #tpu.memory_space<hbm>> -> memref<80xi32, #tpu.memory_space<hbm>>
          %dma_start3A_183 = tpu.memref_slice %arg4[%add3A_124] : memref<320000xi32, #tpu.memory_space<hbm>> -> memref<80xi32, #tpu.memory_space<hbm>>
          tpu.enqueue_dma source(%dma_start3A_183 : memref<80xi32, #tpu.memory_space<hbm>>) target(%arg10 : memref<80xi32, #tpu.memory_space<vmem>>) target_semaphore(%run_scoped3A : memref<!tpu.dma_semaphore, #tpu.memory_space<semaphore_mem>>)
          %dma_wait3A_184 = tpu.memref_slice %arg4[%add3A_124] : memref<320000xi32, #tpu.memory_space<hbm>> -> memref<80xi32, #tpu.memory_space<hbm>>
          %dma_wait3A_185 = tpu.memref_slice %arg4[%add3A_124] : memref<320000xi32, #tpu.memory_space<hbm>> -> memref<80xi32, #tpu.memory_space<hbm>>
          tpu.wait_dma2 semaphore(%run_scoped3A : memref<!tpu.dma_semaphore, #tpu.memory_space<semaphore_mem>>) src(%dma_wait3A_185 : memref<80xi32, #tpu.memory_space<hbm>>) dst(%arg10 : memref<80xi32, #tpu.memory_space<vmem>>)
          tpu.yield
        }) : () -> ()
        %get3A = arith.constant 0 : index
        %get3A_125 = tpu.vector_load %arg9[%get3A] {strides = array<i32>} : memref<80xi32, #tpu.memory_space<vmem>>, vector<16xi32>,
        %get3A_126 = vector.shape_cast %get3A_125 : vector<16xi32> to vector<16xi32>
        %mul3A_127 = arith.constant 10000 : i32
        %mul3A_128 = arith.muli %add3A_88, %mul3A_127 : i32
        %add3A_129 = vector.broadcast %mul3A_128 : i32 to vector<16xi32>
        %add3A_130 = arith.addi %get3A_126, %add3A_129 : vector<16xi32>
        %swap3A = arith.constant 0 : index
        %swap3A_131 = tpu.vector_load %arg9[%swap3A] {strides = array<i32>} : memref<80xi32, #tpu.memory_space<vmem>>, vector<16xi32>,
        %swap3A_132 = vector.shape_cast %swap3A_131 : vector<16xi32> to vector<16xi32>
        %swap3A_133 = vector.shape_cast %add3A_130 : vector<16xi32> to vector<16xi32>
        tpu.vector_store %arg9[%swap3A], %swap3A_133 {strides = array<i32>} : memref<80xi32, #tpu.memory_space<vmem>>, vector<16xi32>,
        %get3A_134 = arith.constant 16 : index
        %get3A_135 = tpu.vector_load %arg9[%get3A_134] {strides = array<i32>} : memref<80xi32, #tpu.memory_space<vmem>>, vector<16xi32>,
        %get3A_136 = vector.shape_cast %get3A_135 : vector<16xi32> to vector<16xi32>
        %mul3A_137 = arith.constant 10000 : i32
        %mul3A_138 = arith.muli %add3A_88, %mul3A_137 : i32
        %add3A_139 = vector.broadcast %mul3A_138 : i32 to vector<16xi32>
        %add3A_140 = arith.addi %get3A_136, %add3A_139 : vector<16xi32>
        %swap3A_141 = arith.constant 16 : index
        %swap3A_142 = tpu.vector_load %arg9[%swap3A_141] {strides = array<i32>} : memref<80xi32, #tpu.memory_space<vmem>>, vector<16xi32>,
        %swap3A_143 = vector.shape_cast %swap3A_142 : vector<16xi32> to vector<16xi32>
        %swap3A_144 = vector.shape_cast %add3A_140 : vector<16xi32> to vector<16xi32>
        tpu.vector_store %arg9[%swap3A_141], %swap3A_144 {strides = array<i32>} : memref<80xi32, #tpu.memory_space<vmem>>, vector<16xi32>,
        %get3A_145 = arith.constant 32 : index
        %get3A_146 = tpu.vector_load %arg9[%get3A_145] {strides = array<i32>} : memref<80xi32, #tpu.memory_space<vmem>>, vector<16xi32>,
        %get3A_147 = vector.shape_cast %get3A_146 : vector<16xi32> to vector<16xi32>
        %mul3A_148 = arith.constant 10000 : i32
        %mul3A_149 = arith.muli %add3A_88, %mul3A_148 : i32
        %add3A_150 = vector.broadcast %mul3A_149 : i32 to vector<16xi32>
        %add3A_151 = arith.addi %get3A_147, %add3A_150 : vector<16xi32>
        %swap3A_152 = arith.constant 32 : index
        %swap3A_153 = tpu.vector_load %arg9[%swap3A_152] {strides = array<i32>} : memref<80xi32, #tpu.memory_space<vmem>>, vector<16xi32>,
        %swap3A_154 = vector.shape_cast %swap3A_153 : vector<16xi32> to vector<16xi32>
        %swap3A_155 = vector.shape_cast %add3A_151 : vector<16xi32> to vector<16xi32>
        tpu.vector_store %arg9[%swap3A_152], %swap3A_155 {strides = array<i32>} : memref<80xi32, #tpu.memory_space<vmem>>, vector<16xi32>,
        %get3A_156 = arith.constant 48 : index
        %get3A_157 = tpu.vector_load %arg9[%get3A_156] {strides = array<i32>} : memref<80xi32, #tpu.memory_space<vmem>>, vector<16xi32>,
        %get3A_158 = vector.shape_cast %get3A_157 : vector<16xi32> to vector<16xi32>
        %mul3A_159 = arith.constant 10000 : i32
        %mul3A_160 = arith.muli %add3A_88, %mul3A_159 : i32
        %add3A_161 = vector.broadcast %mul3A_160 : i32 to vector<16xi32>
        %add3A_162 = arith.addi %get3A_158, %add3A_161 : vector<16xi32>
        %swap3A_163 = arith.constant 48 : index
        %swap3A_164 = tpu.vector_load %arg9[%swap3A_163] {strides = array<i32>} : memref<80xi32, #tpu.memory_space<vmem>>, vector<16xi32>,
        %swap3A_165 = vector.shape_cast %swap3A_164 : vector<16xi32> to vector<16xi32>
        %swap3A_166 = vector.shape_cast %add3A_162 : vector<16xi32> to vector<16xi32>
        tpu.vector_store %arg9[%swap3A_163], %swap3A_166 {strides = array<i32>} : memref<80xi32, #tpu.memory_space<vmem>>, vector<16xi32>,
        %get3A_167 = arith.constant 64 : index
        %get3A_168 = tpu.vector_load %arg9[%get3A_167] {strides = array<i32>} : memref<80xi32, #tpu.memory_space<vmem>>, vector<16xi32>,
        %get3A_169 = vector.shape_cast %get3A_168 : vector<16xi32> to vector<16xi32>
        %mul3A_170 = arith.constant 10000 : i32
        %mul3A_171 = arith.muli %add3A_88, %mul3A_170 : i32
        %add3A_172 = vector.broadcast %mul3A_171 : i32 to vector<16xi32>
        %add3A_173 = arith.addi %get3A_169, %add3A_172 : vector<16xi32>
        %swap3A_174 = arith.constant 64 : index
        %swap3A_175 = tpu.vector_load %arg9[%swap3A_174] {strides = array<i32>} : memref<80xi32, #tpu.memory_space<vmem>>, vector<16xi32>,
        %swap3A_176 = vector.shape_cast %swap3A_175 : vector<16xi32> to vector<16xi32>
        %swap3A_177 = vector.shape_cast %add3A_173 : vector<16xi32> to vector<16xi32>
        tpu.vector_store %arg9[%swap3A_174], %swap3A_177 {strides = array<i32>} : memref<80xi32, #tpu.memory_space<vmem>>, vector<16xi32>,
        %dma_start3A = arith.constant 0 : i32
        %dma_start3A_178 = arith.constant 0 : i32
        %dma_start3A_179 = tpu.memref_slice %arg2[%dma_start3A, %dma_start3A_178] : memref<120000x128xf32, #tpu.memory_space<hbm>> -> memref<120000x128xf32, #tpu.memory_space<hbm>>
        tpu.enqueue_indirect_dma source(%dma_start3A_179 : memref<120000x128xf32, #tpu.memory_space<hbm>>) target(%arg11 : memref<80x128xf32, #tpu.memory_space<vmem>>) offsets(%arg9 : memref<80xi32, #tpu.memory_space<vmem>>) semaphore(%arg12 : memref<!tpu.dma_semaphore, #tpu.memory_space<semaphore_mem>>)
        %dma_wait3A = arith.constant 0 : i32
        %dma_wait3A_180 = arith.constant 0 : i32
        %dma_wait3A_181 = tpu.memref_slice %arg2[%dma_wait3A, %dma_wait3A_180] : memref<120000x128xf32, #tpu.memory_space<hbm>> -> memref<120000x128xf32, #tpu.memory_space<hbm>>
        tpu.wait_indirect_dma semaphore(%arg12 : memref<!tpu.dma_semaphore, #tpu.memory_space<semaphore_mem>>) src(%dma_wait3A_181 : memref<120000x128xf32, #tpu.memory_space<hbm>>) dst(%arg11 : memref<80x128xf32, #tpu.memory_space<vmem>>)
        "tpu.region"() ({
          %run_scoped3A = tpu.sem_alloc : memref<!tpu.dma_semaphore, #tpu.memory_space<semaphore_mem>>
          %dma_start3A_182 = arith.constant 0 : i32
          %dma_start3A_183 = arith.constant 0 : i32
          %dma_start3A_184 = tpu.memref_slice %arg8[%dma_start3A_182, %dma_start3A_183] : memref<10000x128xf32, #tpu.memory_space<vmem_shared>> -> memref<10000x128xf32, #tpu.memory_space<vmem_shared>>
          tpu.enqueue_indirect_dma source(%arg11 : memref<80x128xf32, #tpu.memory_space<vmem>>) target(%dma_start3A_184 : memref<10000x128xf32, #tpu.memory_space<vmem_shared>>) offsets(%arg10 : memref<80xi32, #tpu.memory_space<vmem>>) semaphore(%run_scoped3A : memref<!tpu.dma_semaphore, #tpu.memory_space<semaphore_mem>>) {add = true}
          %dma_wait3A_185 = arith.constant 0 : i32
          %dma_wait3A_186 = arith.constant 0 : i32
          %dma_wait3A_187 = tpu.memref_slice %arg8[%dma_wait3A_185, %dma_wait3A_186] : memref<10000x128xf32, #tpu.memory_space<vmem_shared>> -> memref<10000x128xf32, #tpu.memory_space<vmem_shared>>
          tpu.wait_indirect_dma semaphore(%run_scoped3A : memref<!tpu.dma_semaphore, #tpu.memory_space<semaphore_mem>>) src(%arg11 : memref<80x128xf32, #tpu.memory_space<vmem>>) dst(%dma_wait3A_187 : memref<10000x128xf32, #tpu.memory_space<vmem_shared>>)
          tpu.yield
        }) : () -> ()
      }
      %scan3A_120 = arith.constant 250 : i32
    } else {
    }
    %eq3A_104 = arith.constant 1 : i32
    %eq3A_105 = arith.cmpi eq, %arg0, %eq3A_104 : i32
    %convert_element_type3A_106 = arith.extui %eq3A_105 : i1 to i32
    %cond3A_107 = arith.constant 0 : i32
    %cond3A_108 = arith.cmpi ne, %convert_element_type3A_106, %cond3A_107 : i32
    scf.if %cond3A_108 {
      %scan3A_115 = arith.constant 0 : i32
      %scan3A_116 = arith.constant 0 : i32
      %scan3A_117 = arith.constant 250 : i32
      %scan3A_118 = arith.addi %scan3A_116, %scan3A_117 : i32
      %scan3A_119 = arith.constant 1 : i32
      scf.for %scan3A_121 = %scan3A_116 to %scan3A_118 step %scan3A_119  : i32 {
        %mul3A_122 = arith.constant 80 : i32
        %mul3A_123 = arith.muli %scan3A_121, %mul3A_122 : i32
        %add3A_124 = arith.addi %mul3A_0, %mul3A_123 : i32
        "tpu.region"() ({
          %run_scoped3A = tpu.sem_alloc : memref<!tpu.dma_semaphore, #tpu.memory_space<semaphore_mem>>
          %dma_start3A = tpu.memref_slice %arg4[%add3A_124] : memref<320000xi32, #tpu.memory_space<hbm>> -> memref<80xi32, #tpu.memory_space<hbm>>
          %dma_start3A_125 = tpu.memref_slice %arg4[%add3A_124] : memref<320000xi32, #tpu.memory_space<hbm>> -> memref<80xi32, #tpu.memory_space<hbm>>
          tpu.enqueue_dma source(%dma_start3A_125 : memref<80xi32, #tpu.memory_space<hbm>>) target(%arg10 : memref<80xi32, #tpu.memory_space<vmem>>) target_semaphore(%run_scoped3A : memref<!tpu.dma_semaphore, #tpu.memory_space<semaphore_mem>>)
          %dma_wait3A = tpu.memref_slice %arg4[%add3A_124] : memref<320000xi32, #tpu.memory_space<hbm>> -> memref<80xi32, #tpu.memory_space<hbm>>
          %dma_wait3A_126 = tpu.memref_slice %arg4[%add3A_124] : memref<320000xi32, #tpu.memory_space<hbm>> -> memref<80xi32, #tpu.memory_space<hbm>>
          tpu.wait_dma2 semaphore(%run_scoped3A : memref<!tpu.dma_semaphore, #tpu.memory_space<semaphore_mem>>) src(%dma_wait3A_126 : memref<80xi32, #tpu.memory_space<hbm>>) dst(%arg10 : memref<80xi32, #tpu.memory_space<vmem>>)
          tpu.yield
        }) : () -> ()
        "tpu.region"() ({
          %run_scoped3A = tpu.sem_alloc : memref<!tpu.dma_semaphore, #tpu.memory_space<semaphore_mem>>
          %dma_start3A = arith.constant 0 : i32
          %dma_start3A_125 = arith.constant 0 : i32
          %dma_start3A_126 = tpu.memref_slice %arg8[%dma_start3A, %dma_start3A_125] : memref<10000x128xf32, #tpu.memory_space<vmem_shared>> -> memref<10000x128xf32, #tpu.memory_space<vmem_shared>>
          tpu.enqueue_indirect_dma source(%arg11 : memref<80x128xf32, #tpu.memory_space<vmem>>) target(%dma_start3A_126 : memref<10000x128xf32, #tpu.memory_space<vmem_shared>>) offsets(%arg10 : memref<80xi32, #tpu.memory_space<vmem>>) semaphore(%run_scoped3A : memref<!tpu.dma_semaphore, #tpu.memory_space<semaphore_mem>>) {add = true}
          %dma_wait3A = arith.constant 0 : i32
          %dma_wait3A_127 = arith.constant 0 : i32
          %dma_wait3A_128 = tpu.memref_slice %arg8[%dma_wait3A, %dma_wait3A_127] : memref<10000x128xf32, #tpu.memory_space<vmem_shared>> -> memref<10000x128xf32, #tpu.memory_space<vmem_shared>>
          tpu.wait_indirect_dma semaphore(%run_scoped3A : memref<!tpu.dma_semaphore, #tpu.memory_space<semaphore_mem>>) src(%arg11 : memref<80x128xf32, #tpu.memory_space<vmem>>) dst(%dma_wait3A_128 : memref<10000x128xf32, #tpu.memory_space<vmem_shared>>)
          tpu.yield
        }) : () -> ()
      }
      %scan3A_120 = arith.constant 250 : i32
    } else {
    }
    %barrier3A_109 = arith.constant 0 : index
    tpu.barrier barrier_id(%barrier3A_109)
    %lt3A_110 = arith.constant 10 : i32
    %lt3A_111 = arith.cmpi slt, %arg1, %lt3A_110 : i32
    %convert_element_type3A_112 = arith.extui %lt3A_111 : i1 to i32
    %cond3A_113 = arith.constant 0 : i32
    %cond3A_114 = arith.cmpi ne, %convert_element_type3A_112, %cond3A_113 : i32
    scf.if %cond3A_114 {
      %mul3A_115 = arith.constant 10000 : i32
      %mul3A_116 = arith.muli %add3A_88, %mul3A_115 : i32
      %add3A_117 = arith.addi %mul3A_116, %mul3A_2 : i32
      "tpu.region"() ({
        %run_scoped3A = tpu.sem_alloc : memref<!tpu.dma_semaphore, #tpu.memory_space<semaphore_mem>>
        %dma_start3A = arith.constant 0 : i32
        %dma_start3A_118 = tpu.memref_slice %arg7[%add3A_117, %dma_start3A] : memref<100000x128xf32, #tpu.memory_space<hbm>> -> memref<1000x128xf32, #tpu.memory_space<hbm>>
        %dma_start3A_119 = arith.constant 0 : i32
        %dma_start3A_120 = tpu.memref_slice %arg8[%mul3A_2, %dma_start3A_119] : memref<10000x128xf32, #tpu.memory_space<vmem_shared>> -> memref<1000x128xf32, #tpu.memory_space<vmem_shared>>
        tpu.enqueue_dma source(%dma_start3A_120 : memref<1000x128xf32, #tpu.memory_space<vmem_shared>>) target(%dma_start3A_118 : memref<1000x128xf32, #tpu.memory_space<hbm>>) target_semaphore(%run_scoped3A : memref<!tpu.dma_semaphore, #tpu.memory_space<semaphore_mem>>)
        %dma_wait3A = arith.constant 0 : i32
        %dma_wait3A_121 = tpu.memref_slice %arg7[%add3A_117, %dma_wait3A] : memref<100000x128xf32, #tpu.memory_space<hbm>> -> memref<1000x128xf32, #tpu.memory_space<hbm>>
        %dma_wait3A_122 = arith.constant 0 : i32
        %dma_wait3A_123 = tpu.memref_slice %arg8[%mul3A_2, %dma_wait3A_122] : memref<10000x128xf32, #tpu.memory_space<vmem_shared>> -> memref<1000x128xf32, #tpu.memory_space<vmem_shared>>
        tpu.wait_dma2 semaphore(%run_scoped3A : memref<!tpu.dma_semaphore, #tpu.memory_space<semaphore_mem>>) src(%dma_wait3A_123 : memref<1000x128xf32, #tpu.memory_space<vmem_shared>>) dst(%dma_wait3A_121 : memref<1000x128xf32, #tpu.memory_space<hbm>>)
        tpu.yield
      }) : () -> ()
    } else {
    }
    return
  }
}

module attributes {stable_mosaic.version = 14 : i64} {
  func.func @_enc_body(%arg0: i32, %arg1: i32, %arg2: memref<1x2000x128xf32, #tpu.memory_space<vmem>>, %arg3: memref<2000x1xf32, #tpu.memory_space<vmem>>, %arg4: memref<1x2000x128xf32, #tpu.memory_space<vmem>>, %arg5: memref<128x128xf32, #tpu.memory_space<vmem>>, %arg6: memref<1x128xf32, #tpu.memory_space<vmem>>, %arg7: memref<128x128xf32, #tpu.memory_space<vmem>>, %arg8: memref<1x1x128xf32, #tpu.memory_space<vmem>>, %arg9: memref<1x128xf32, #tpu.memory_space<vmem>>) attributes {dimension_semantics = [#tpu.dimension_semantics<arbitrary>, #tpu.dimension_semantics<arbitrary>], iteration_bounds = array<i64: 9, 5>, scalar_prefetch = 0 : i64, scratch_operands = 1 : i64, tpu.core_type = #tpu.core_type<tc>, window_params = [{transform_indices = @transform_0, window_bounds = array<i64: 1, 2000, 128>}, {transform_indices = @transform_1, window_bounds = array<i64: 2000, 1>}, {transform_indices = @transform_2, window_bounds = array<i64: 1, 2000, 128>}, {pipeline_mode = #tpu.pipeline_mode<synchronous>, transform_indices = @transform_3, window_bounds = array<i64: 128, 128>}, {pipeline_mode = #tpu.pipeline_mode<synchronous>, transform_indices = @transform_4, window_bounds = array<i64: 1, 128>}, {pipeline_mode = #tpu.pipeline_mode<synchronous>, transform_indices = @transform_5, window_bounds = array<i64: 128, 128>}, {transform_indices = @transform_6, window_bounds = array<i64: 1, 1, 128>}]} {
    %eq3A = arith.constant 0 : i32
    %eq3A_0 = arith.cmpi eq, %arg1, %eq3A : i32
    %convert_element_type3A = arith.extui %eq3A_0 : i1 to i32
    %cond3A = arith.constant 0 : i32
    %cond3A_1 = arith.cmpi ne, %convert_element_type3A, %cond3A : i32
    scf.if %cond3A_1 {
      %broadcast_in_dim3A_48 = arith.constant 0.000000e+00 : f32
      %broadcast_in_dim3A_49 = vector.broadcast %broadcast_in_dim3A_48 : f32 to vector<1x128xf32>
      %swap3A_50 = arith.constant 0 : index
      %swap3A_51 = arith.constant 0 : index
      %swap3A_52 = vector.load %arg9[%swap3A_50, %swap3A_51] : memref<1x128xf32, #tpu.memory_space<vmem>>, vector<1x128xf32>
      tpu.vector_store %arg9[%swap3A_50, %swap3A_51], %broadcast_in_dim3A_49 {strides = array<i32>} : memref<1x128xf32, #tpu.memory_space<vmem>>, vector<1x128xf32>,
    } else {
    }
    %get3A = arith.constant 0 : index
    %get3A_2 = arith.constant 0 : index
    %get3A_3 = vector.load %arg3[%get3A, %get3A_2] : memref<2000x1xf32, #tpu.memory_space<vmem>>, vector<2000x1xf32>
    %max3A = arith.constant 1.000000e+00 : f32
    %max3A_4 = vector.broadcast %max3A : f32 to vector<2000x1xf32>
    %max3A_5 = arith.maximumf %get3A_3, %max3A_4 : vector<2000x1xf32>
    %div3A = arith.constant 1.000000e+00 : f32
    %div3A_6 = vector.broadcast %div3A : f32 to vector<2000x1xf32>
    %div3A_7 = arith.divf %div3A_6, %max3A_5 : vector<2000x1xf32>
    %get3A_8 = arith.constant 0 : index
    %get3A_9 = arith.constant 0 : index
    %get3A_10 = arith.constant 0 : index
    %get3A_11 = vector.load %arg2[%get3A_8, %get3A_9, %get3A_10] : memref<1x2000x128xf32, #tpu.memory_space<vmem>>, vector<1x2000x128xf32>
    %get3A_12 = vector.shape_cast %get3A_11 : vector<1x2000x128xf32> to vector<2000x128xf32>
    %mul3A = vector.broadcast %div3A_7 : vector<2000x1xf32> to vector<2000x128xf32>
    %mul3A_13 = arith.mulf %get3A_12, %mul3A : vector<2000x128xf32>
    %get3A_14 = arith.constant 0 : index
    %get3A_15 = arith.constant 0 : index
    %get3A_16 = vector.load %arg5[%get3A_14, %get3A_15] : memref<128x128xf32, #tpu.memory_space<vmem>>, vector<128x128xf32>
    %dot_general3A = arith.constant dense<0.000000e+00> : vector<2000x128xf32>
    %dot_general3A_17 = tpu.matmul %mul3A_13, %get3A_16, %dot_general3A {dimension_numbers = #tpu.dot_dimension_numbers<[1], [0], [0], [1], [0, 0, 1, 1], [], []>, transpose_lhs_hint = false} : vector<2000x128xf32>, vector<128x128xf32>, vector<2000x128xf32> -> vector<2000x128xf32>
    %get3A_18 = arith.constant 0 : index
    %get3A_19 = arith.constant 0 : index
    %get3A_20 = vector.load %arg6[%get3A_18, %get3A_19] : memref<1x128xf32, #tpu.memory_space<vmem>>, vector<1x128xf32>
    %add3A = vector.broadcast %get3A_20 : vector<1x128xf32> to vector<2000x128xf32>
    %add3A_21 = arith.addf %dot_general3A_17, %add3A : vector<2000x128xf32>
    %get3A_22 = arith.constant 0 : index
    %get3A_23 = arith.constant 0 : index
    %get3A_24 = arith.constant 0 : index
    %get3A_25 = vector.load %arg4[%get3A_22, %get3A_23, %get3A_24] : memref<1x2000x128xf32, #tpu.memory_space<vmem>>, vector<1x2000x128xf32>
    %get3A_26 = vector.shape_cast %get3A_25 : vector<1x2000x128xf32> to vector<2000x128xf32>
    %get3A_27 = arith.constant 0 : index
    %get3A_28 = arith.constant 0 : index
    %get3A_29 = vector.load %arg7[%get3A_27, %get3A_28] : memref<128x128xf32, #tpu.memory_space<vmem>>, vector<128x128xf32>
    %dot_general3A_30 = arith.constant dense<0.000000e+00> : vector<2000x128xf32>
    %dot_general3A_31 = tpu.matmul %get3A_26, %get3A_29, %dot_general3A_30 {dimension_numbers = #tpu.dot_dimension_numbers<[1], [0], [0], [1], [0, 0, 1, 1], [], []>, transpose_lhs_hint = false} : vector<2000x128xf32>, vector<128x128xf32>, vector<2000x128xf32> -> vector<2000x128xf32>
    %add3A_32 = arith.addf %add3A_21, %dot_general3A_31 : vector<2000x128xf32>
    %max3A_33 = arith.constant 0.000000e+00 : f32
    %max3A_34 = vector.broadcast %max3A_33 : f32 to vector<2000x128xf32>
    %max3A_35 = arith.maximumf %add3A_32, %max3A_34 : vector<2000x128xf32>
    %get3A_36 = arith.constant 0 : index
    %get3A_37 = arith.constant 0 : index
    %get3A_38 = vector.load %arg9[%get3A_36, %get3A_37] : memref<1x128xf32, #tpu.memory_space<vmem>>, vector<1x128xf32>
    %reduce_sum3A = arith.constant dense<0.000000e+00> : vector<128xf32>
    %reduce_sum3A_39 = vector.multi_reduction <add>, %max3A_35, %reduce_sum3A [0] : vector<2000x128xf32> to vector<128xf32>
    %broadcast_in_dim3A = vector.shape_cast %reduce_sum3A_39 : vector<128xf32> to vector<1x128xf32>
    %add3A_40 = arith.addf %get3A_38, %broadcast_in_dim3A : vector<1x128xf32>
    %swap3A = arith.constant 0 : index
    %swap3A_41 = arith.constant 0 : index
    %swap3A_42 = vector.load %arg9[%swap3A, %swap3A_41] : memref<1x128xf32, #tpu.memory_space<vmem>>, vector<1x128xf32>
    tpu.vector_store %arg9[%swap3A, %swap3A_41], %add3A_40 {strides = array<i32>} : memref<1x128xf32, #tpu.memory_space<vmem>>, vector<1x128xf32>,
    %eq3A_43 = arith.constant 4 : i32
    %eq3A_44 = arith.cmpi eq, %arg1, %eq3A_43 : i32
    %convert_element_type3A_45 = arith.extui %eq3A_44 : i1 to i32
    %cond3A_46 = arith.constant 0 : i32
    %cond3A_47 = arith.cmpi ne, %convert_element_type3A_45, %cond3A_46 : i32
    scf.if %cond3A_47 {
      %get3A_48 = arith.constant 0 : index
      %get3A_49 = arith.constant 0 : index
      %get3A_50 = vector.load %arg9[%get3A_48, %get3A_49] : memref<1x128xf32, #tpu.memory_space<vmem>>, vector<1x128xf32>
      %mul3A_51 = arith.constant 9.99999974E-5 : f32
      %mul3A_52 = vector.broadcast %mul3A_51 : f32 to vector<1x128xf32>
      %mul3A_53 = arith.mulf %get3A_50, %mul3A_52 : vector<1x128xf32>
      %swap3A_54 = arith.constant 0 : index
      %swap3A_55 = arith.constant 0 : index
      %swap3A_56 = arith.constant 0 : index
      %swap3A_57 = vector.load %arg8[%swap3A_54, %swap3A_55, %swap3A_56] : memref<1x1x128xf32, #tpu.memory_space<vmem>>, vector<1x1x128xf32>
      %swap3A_58 = vector.shape_cast %swap3A_57 : vector<1x1x128xf32> to vector<1x128xf32>
      %swap3A_59 = vector.shape_cast %mul3A_53 : vector<1x128xf32> to vector<1x1x128xf32>
      tpu.vector_store %arg8[%swap3A_54, %swap3A_55, %swap3A_56], %swap3A_59 {strides = array<i32>} : memref<1x1x128xf32, #tpu.memory_space<vmem>>, vector<1x1x128xf32>,
    } else {
    }
    return
  }
  func.func @transform_0(%arg0: i32, %arg1: i32) -> (i32, i32, i32) {
    %c0_i32 = arith.constant 0 : i32
    %c0_i32_0 = arith.constant 0 : i32
    return %arg0, %arg1, %c0_i32 : i32, i32, i32
  }
  func.func @transform_1(%arg0: i32, %arg1: i32) -> (i32, i32) {
    %c0_i32 = arith.constant 0 : i32
    %c0_i32_0 = arith.constant 0 : i32
    return %arg1, %c0_i32 : i32, i32
  }
  func.func @transform_2(%arg0: i32, %arg1: i32) -> (i32, i32, i32) {
    %c0_i32 = arith.constant 0 : i32
    %c0_i32_0 = arith.constant 0 : i32
    return %arg0, %arg1, %c0_i32 : i32, i32, i32
  }
  func.func @transform_3(%arg0: i32, %arg1: i32) -> (i32, i32) {
    %c0_i32 = arith.constant 0 : i32
    %c0_i32_0 = arith.constant 0 : i32
    %c0_i32_1 = arith.constant 0 : i32
    return %c0_i32, %c0_i32_0 : i32, i32
  }
  func.func @transform_4(%arg0: i32, %arg1: i32) -> (i32, i32) {
    %c0_i32 = arith.constant 0 : i32
    %c0_i32_0 = arith.constant 0 : i32
    %c0_i32_1 = arith.constant 0 : i32
    return %c0_i32, %c0_i32_0 : i32, i32
  }
  func.func @transform_5(%arg0: i32, %arg1: i32) -> (i32, i32) {
    %c0_i32 = arith.constant 0 : i32
    %c0_i32_0 = arith.constant 0 : i32
    %c0_i32_1 = arith.constant 0 : i32
    return %c0_i32, %c0_i32_0 : i32, i32
  }
  func.func @transform_6(%arg0: i32, %arg1: i32) -> (i32, i32, i32) {
    %c0_i32 = arith.constant 0 : i32
    %c0_i32_0 = arith.constant 0 : i32
    %c0_i32_1 = arith.constant 0 : i32
    return %arg0, %c0_i32, %c0_i32_0 : i32, i32, i32
  }
}

module attributes {stable_mosaic.version = 14 : i64} {
  func.func @_recon_body(%arg0: i32, %arg1: memref<2x128xf32, #tpu.memory_space<vmem>>, %arg2: memref<1000x1xf32, #tpu.memory_space<vmem>>, %arg3: memref<11x1000x128xf32, #tpu.memory_space<vmem>>) attributes {dimension_semantics = [#tpu.dimension_semantics<arbitrary>], iteration_bounds = array<i64: 10>, scalar_prefetch = 0 : i64, scratch_operands = 0 : i64, tpu.core_type = #tpu.core_type<tc>, window_params = [{pipeline_mode = #tpu.pipeline_mode<synchronous>, transform_indices = @transform_0, window_bounds = array<i64: 2, 128>}, {transform_indices = @transform_1, window_bounds = array<i64: 1000, 1>}, {transform_indices = @transform_2, window_bounds = array<i64: 11, 1000, 128>}]} {
    %get3A = arith.constant 0 : index
    %get3A_0 = arith.constant 0 : index
    %get3A_1 = vector.load %arg2[%get3A, %get3A_0] : memref<1000x1xf32, #tpu.memory_space<vmem>>, vector<1000x1xf32>
    %gt3A = arith.constant 0.000000e+00 : f32
    %gt3A_2 = vector.broadcast %gt3A : f32 to vector<1000x1xf32>
    %gt3A_3 = arith.cmpf ogt, %get3A_1, %gt3A_2 : vector<1000x1xf32>
    %get3A_4 = arith.constant 0 : index
    %get3A_5 = arith.constant 0 : index
    %get3A_6 = vector.load %arg1[%get3A_4, %get3A_5] : memref<2x128xf32, #tpu.memory_space<vmem>>, vector<1x128xf32>
    %get3A_7 = arith.constant 1 : index
    %get3A_8 = arith.constant 0 : index
    %get3A_9 = vector.load %arg1[%get3A_7, %get3A_8] : memref<2x128xf32, #tpu.memory_space<vmem>>, vector<1x128xf32>
    %broadcast_in_dim3A = vector.shape_cast %gt3A_3 : vector<1000x1xi1> to vector<1000x1xi1>
    %broadcast_in_dim3A_10 = vector.broadcast %broadcast_in_dim3A : vector<1000x1xi1> to vector<1000x128xi1>
    %broadcast_in_dim3A_11 = vector.shape_cast %get3A_6 : vector<1x128xf32> to vector<1x128xf32>
    %broadcast_in_dim3A_12 = vector.broadcast %broadcast_in_dim3A_11 : vector<1x128xf32> to vector<1000x128xf32>
    %broadcast_in_dim3A_13 = vector.shape_cast %get3A_9 : vector<1x128xf32> to vector<1x128xf32>
    %broadcast_in_dim3A_14 = vector.broadcast %broadcast_in_dim3A_13 : vector<1x128xf32> to vector<1000x128xf32>
    %select_n3A = arith.select %broadcast_in_dim3A_10, %broadcast_in_dim3A_12, %broadcast_in_dim3A_14 : vector<1000x128xi1>, vector<1000x128xf32>
    %broadcast_in_dim3A_15 = vector.shape_cast %select_n3A : vector<1000x128xf32> to vector<1x1000x128xf32>
    %broadcast_in_dim3A_16 = vector.shape_cast %broadcast_in_dim3A_15 : vector<1x1000x128xf32> to vector<1x1000x128xf32>
    %broadcast_in_dim3A_17 = vector.broadcast %broadcast_in_dim3A_16 : vector<1x1000x128xf32> to vector<11x1000x128xf32>
    %swap3A = arith.constant 0 : index
    %swap3A_18 = arith.constant 0 : index
    %swap3A_19 = arith.constant 0 : index
    %swap3A_20 = vector.load %arg3[%swap3A, %swap3A_18, %swap3A_19] : memref<11x1000x128xf32, #tpu.memory_space<vmem>>, vector<11x1000x128xf32>
    tpu.vector_store %arg3[%swap3A, %swap3A_18, %swap3A_19], %broadcast_in_dim3A_17 {strides = array<i32>} : memref<11x1000x128xf32, #tpu.memory_space<vmem>>, vector<11x1000x128xf32>,
    return
  }
  func.func @transform_0(%arg0: i32) -> (i32, i32) {
    %c0_i32 = arith.constant 0 : i32
    %c0_i32_0 = arith.constant 0 : i32
    %c0_i32_1 = arith.constant 0 : i32
    return %c0_i32, %c0_i32_0 : i32, i32
  }
  func.func @transform_1(%arg0: i32) -> (i32, i32) {
    %c0_i32 = arith.constant 0 : i32
    %c0_i32_0 = arith.constant 0 : i32
    return %arg0, %c0_i32 : i32, i32
  }
  func.func @transform_2(%arg0: i32) -> (i32, i32, i32) {
    %c0_i32 = arith.constant 0 : i32
    %c0_i32_0 = arith.constant 0 : i32
    %c0_i32_1 = arith.constant 0 : i32
    return %c0_i32, %arg0, %c0_i32_0 : i32, i32, i32
  }
}

module attributes {stable_mosaic.version = 14 : i64} {
  func.func @_head_body(%arg0: memref<12x128xf32, #tpu.memory_space<vmem>>, %arg1: memref<128x384xf32, #tpu.memory_space<vmem>>, %arg2: memref<128x384xf32, #tpu.memory_space<vmem>>, %arg3: memref<1x384xf32, #tpu.memory_space<vmem>>, %arg4: memref<1x384xf32, #tpu.memory_space<vmem>>, %arg5: memref<128x64xf32, #tpu.memory_space<vmem>>, %arg6: memref<1x64xf32, #tpu.memory_space<vmem>>, %arg7: memref<128x64xf32, #tpu.memory_space<vmem>>, %arg8: memref<1x64xf32, #tpu.memory_space<vmem>>, %arg9: memref<1x64xf32, #tpu.memory_space<vmem>>, %arg10: memref<64x128xf32, #tpu.memory_space<vmem>>, %arg11: memref<9x128x128xf32, #tpu.memory_space<vmem>>, %arg12: memref<1x128xf32, #tpu.memory_space<vmem>>, %arg13: memref<128x128xf32, #tpu.memory_space<vmem>>, %arg14: memref<1x128xf32, #tpu.memory_space<vmem>>, %arg15: memref<128x128xf32, #tpu.memory_space<vmem>>, %arg16: memref<1x64xf32, #tpu.memory_space<vmem>>, %arg17: memref<1x64xf32, #tpu.memory_space<vmem>>, %arg18: memref<2x128xf32, #tpu.memory_space<vmem>>) attributes {dimension_semantics = [], scalar_prefetch = 0 : i64, scratch_operands = 0 : i64, tpu.core_type = #tpu.core_type<tc>} {
    %broadcast_in_dim3A = arith.constant 0.000000e+00 : f32
    %broadcast_in_dim3A_0 = vector.broadcast %broadcast_in_dim3A : f32 to vector<1x128xf32>
    %get3A = arith.constant 0 : index
    %get3A_1 = arith.constant 0 : index
    %get3A_2 = vector.load %arg0[%get3A, %get3A_1] : memref<12x128xf32, #tpu.memory_space<vmem>>, vector<1x128xf32>
    %get3A_3 = arith.constant 0 : index
    %get3A_4 = arith.constant 0 : index
    %get3A_5 = vector.load %arg1[%get3A_3, %get3A_4] : memref<128x384xf32, #tpu.memory_space<vmem>>, vector<128x384xf32>
    %dot_general3A = arith.constant dense<0.000000e+00> : vector<1x384xf32>
    %dot_general3A_6 = tpu.matmul %get3A_2, %get3A_5, %dot_general3A {dimension_numbers = #tpu.dot_dimension_numbers<[1], [0], [0], [1], [0, 0, 1, 1], [], []>, transpose_lhs_hint = false} : vector<1x128xf32>, vector<128x384xf32>, vector<1x384xf32> -> vector<1x384xf32>
    %get3A_7 = arith.constant 0 : index
    %get3A_8 = arith.constant 0 : index
    %get3A_9 = vector.load %arg3[%get3A_7, %get3A_8] : memref<1x384xf32, #tpu.memory_space<vmem>>, vector<1x384xf32>
    %add3A = arith.addf %dot_general3A_6, %get3A_9 : vector<1x384xf32>
    %get3A_10 = arith.constant 0 : index
    %get3A_11 = arith.constant 0 : index
    %get3A_12 = vector.load %arg2[%get3A_10, %get3A_11] : memref<128x384xf32, #tpu.memory_space<vmem>>, vector<128x384xf32>
    %dot_general3A_13 = arith.constant dense<0.000000e+00> : vector<1x384xf32>
    %dot_general3A_14 = tpu.matmul %broadcast_in_dim3A_0, %get3A_12, %dot_general3A_13 {dimension_numbers = #tpu.dot_dimension_numbers<[1], [0], [0], [1], [0, 0, 1, 1], [], []>, transpose_lhs_hint = false} : vector<1x128xf32>, vector<128x384xf32>, vector<1x384xf32> -> vector<1x384xf32>
    %get3A_15 = arith.constant 0 : index
    %get3A_16 = arith.constant 0 : index
    %get3A_17 = vector.load %arg4[%get3A_15, %get3A_16] : memref<1x384xf32, #tpu.memory_space<vmem>>, vector<1x384xf32>
    %add3A_18 = arith.addf %dot_general3A_14, %get3A_17 : vector<1x384xf32>
    %slice3A = vector.extract_strided_slice %add3A {offsets = [0, 0], sizes = [1, 128], strides = [1, 1]} : vector<1x384xf32> to vector<1x128xf32>
    %slice3A_19 = vector.extract_strided_slice %add3A_18 {offsets = [0, 0], sizes = [1, 128], strides = [1, 1]} : vector<1x384xf32> to vector<1x128xf32>
    %add3A_20 = arith.addf %slice3A, %slice3A_19 : vector<1x128xf32>
    %logistic3A = arith.negf %add3A_20 : vector<1x128xf32>
    %logistic3A_21 = math.exp %logistic3A : vector<1x128xf32>
    %logistic3A_22 = arith.constant 1.000000e+00 : f32
    %logistic3A_23 = vector.broadcast %logistic3A_22 : f32 to vector<1x128xf32>
    %logistic3A_24 = arith.addf %logistic3A_23, %logistic3A_21 : vector<1x128xf32>
    %logistic3A_25 = arith.divf %logistic3A_23, %logistic3A_24 : vector<1x128xf32>
    %slice3A_26 = vector.extract_strided_slice %add3A {offsets = [0, 128], sizes = [1, 128], strides = [1, 1]} : vector<1x384xf32> to vector<1x128xf32>
    %slice3A_27 = vector.extract_strided_slice %add3A_18 {offsets = [0, 128], sizes = [1, 128], strides = [1, 1]} : vector<1x384xf32> to vector<1x128xf32>
    %add3A_28 = arith.addf %slice3A_26, %slice3A_27 : vector<1x128xf32>
    %logistic3A_29 = arith.negf %add3A_28 : vector<1x128xf32>
    %logistic3A_30 = math.exp %logistic3A_29 : vector<1x128xf32>
    %logistic3A_31 = arith.constant 1.000000e+00 : f32
    %logistic3A_32 = vector.broadcast %logistic3A_31 : f32 to vector<1x128xf32>
    %logistic3A_33 = arith.addf %logistic3A_32, %logistic3A_30 : vector<1x128xf32>
    %logistic3A_34 = arith.divf %logistic3A_32, %logistic3A_33 : vector<1x128xf32>
    %slice3A_35 = vector.extract_strided_slice %add3A {offsets = [0, 256], sizes = [1, 128], strides = [1, 1]} : vector<1x384xf32> to vector<1x128xf32>
    %slice3A_36 = vector.extract_strided_slice %add3A_18 {offsets = [0, 256], sizes = [1, 128], strides = [1, 1]} : vector<1x384xf32> to vector<1x128xf32>
    %mul3A = arith.mulf %logistic3A_25, %slice3A_36 : vector<1x128xf32>
    %add3A_37 = arith.addf %slice3A_35, %mul3A : vector<1x128xf32>
    %tanh3A = math.tanh %add3A_37 : vector<1x128xf32>
    %sub3A = arith.constant 1.000000e+00 : f32
    %sub3A_38 = vector.broadcast %sub3A : f32 to vector<1x128xf32>
    %sub3A_39 = arith.subf %sub3A_38, %logistic3A_34 : vector<1x128xf32>
    %mul3A_40 = arith.mulf %sub3A_39, %tanh3A : vector<1x128xf32>
    %mul3A_41 = arith.mulf %logistic3A_34, %broadcast_in_dim3A_0 : vector<1x128xf32>
    %add3A_42 = arith.addf %mul3A_40, %mul3A_41 : vector<1x128xf32>
    %get3A_43 = arith.constant 1 : index
    %get3A_44 = arith.constant 0 : index
    %get3A_45 = vector.load %arg0[%get3A_43, %get3A_44] : memref<12x128xf32, #tpu.memory_space<vmem>>, vector<1x128xf32>
    %get3A_46 = arith.constant 0 : index
    %get3A_47 = arith.constant 0 : index
    %get3A_48 = vector.load %arg1[%get3A_46, %get3A_47] : memref<128x384xf32, #tpu.memory_space<vmem>>, vector<128x384xf32>
    %dot_general3A_49 = arith.constant dense<0.000000e+00> : vector<1x384xf32>
    %dot_general3A_50 = tpu.matmul %get3A_45, %get3A_48, %dot_general3A_49 {dimension_numbers = #tpu.dot_dimension_numbers<[1], [0], [0], [1], [0, 0, 1, 1], [], []>, transpose_lhs_hint = false} : vector<1x128xf32>, vector<128x384xf32>, vector<1x384xf32> -> vector<1x384xf32>
    %get3A_51 = arith.constant 0 : index
    %get3A_52 = arith.constant 0 : index
    %get3A_53 = vector.load %arg3[%get3A_51, %get3A_52] : memref<1x384xf32, #tpu.memory_space<vmem>>, vector<1x384xf32>
    %add3A_54 = arith.addf %dot_general3A_50, %get3A_53 : vector<1x384xf32>
    %get3A_55 = arith.constant 0 : index
    %get3A_56 = arith.constant 0 : index
    %get3A_57 = vector.load %arg2[%get3A_55, %get3A_56] : memref<128x384xf32, #tpu.memory_space<vmem>>, vector<128x384xf32>
    %dot_general3A_58 = arith.constant dense<0.000000e+00> : vector<1x384xf32>
    %dot_general3A_59 = tpu.matmul %add3A_42, %get3A_57, %dot_general3A_58 {dimension_numbers = #tpu.dot_dimension_numbers<[1], [0], [0], [1], [0, 0, 1, 1], [], []>, transpose_lhs_hint = false} : vector<1x128xf32>, vector<128x384xf32>, vector<1x384xf32> -> vector<1x384xf32>
    %get3A_60 = arith.constant 0 : index
    %get3A_61 = arith.constant 0 : index
    %get3A_62 = vector.load %arg4[%get3A_60, %get3A_61] : memref<1x384xf32, #tpu.memory_space<vmem>>, vector<1x384xf32>
    %add3A_63 = arith.addf %dot_general3A_59, %get3A_62 : vector<1x384xf32>
    %slice3A_64 = vector.extract_strided_slice %add3A_54 {offsets = [0, 0], sizes = [1, 128], strides = [1, 1]} : vector<1x384xf32> to vector<1x128xf32>
    %slice3A_65 = vector.extract_strided_slice %add3A_63 {offsets = [0, 0], sizes = [1, 128], strides = [1, 1]} : vector<1x384xf32> to vector<1x128xf32>
    %add3A_66 = arith.addf %slice3A_64, %slice3A_65 : vector<1x128xf32>
    %logistic3A_67 = arith.negf %add3A_66 : vector<1x128xf32>
    %logistic3A_68 = math.exp %logistic3A_67 : vector<1x128xf32>
    %logistic3A_69 = arith.constant 1.000000e+00 : f32
    %logistic3A_70 = vector.broadcast %logistic3A_69 : f32 to vector<1x128xf32>
    %logistic3A_71 = arith.addf %logistic3A_70, %logistic3A_68 : vector<1x128xf32>
    %logistic3A_72 = arith.divf %logistic3A_70, %logistic3A_71 : vector<1x128xf32>
    %slice3A_73 = vector.extract_strided_slice %add3A_54 {offsets = [0, 128], sizes = [1, 128], strides = [1, 1]} : vector<1x384xf32> to vector<1x128xf32>
    %slice3A_74 = vector.extract_strided_slice %add3A_63 {offsets = [0, 128], sizes = [1, 128], strides = [1, 1]} : vector<1x384xf32> to vector<1x128xf32>
    %add3A_75 = arith.addf %slice3A_73, %slice3A_74 : vector<1x128xf32>
    %logistic3A_76 = arith.negf %add3A_75 : vector<1x128xf32>
    %logistic3A_77 = math.exp %logistic3A_76 : vector<1x128xf32>
    %logistic3A_78 = arith.constant 1.000000e+00 : f32
    %logistic3A_79 = vector.broadcast %logistic3A_78 : f32 to vector<1x128xf32>
    %logistic3A_80 = arith.addf %logistic3A_79, %logistic3A_77 : vector<1x128xf32>
    %logistic3A_81 = arith.divf %logistic3A_79, %logistic3A_80 : vector<1x128xf32>
    %slice3A_82 = vector.extract_strided_slice %add3A_54 {offsets = [0, 256], sizes = [1, 128], strides = [1, 1]} : vector<1x384xf32> to vector<1x128xf32>
    %slice3A_83 = vector.extract_strided_slice %add3A_63 {offsets = [0, 256], sizes = [1, 128], strides = [1, 1]} : vector<1x384xf32> to vector<1x128xf32>
    %mul3A_84 = arith.mulf %logistic3A_72, %slice3A_83 : vector<1x128xf32>
    %add3A_85 = arith.addf %slice3A_82, %mul3A_84 : vector<1x128xf32>
    %tanh3A_86 = math.tanh %add3A_85 : vector<1x128xf32>
    %sub3A_87 = arith.constant 1.000000e+00 : f32
    %sub3A_88 = vector.broadcast %sub3A_87 : f32 to vector<1x128xf32>
    %sub3A_89 = arith.subf %sub3A_88, %logistic3A_81 : vector<1x128xf32>
    %mul3A_90 = arith.mulf %sub3A_89, %tanh3A_86 : vector<1x128xf32>
    %mul3A_91 = arith.mulf %logistic3A_81, %add3A_42 : vector<1x128xf32>
    %add3A_92 = arith.addf %mul3A_90, %mul3A_91 : vector<1x128xf32>
    %get3A_93 = arith.constant 2 : index
    %get3A_94 = arith.constant 0 : index
    %get3A_95 = vector.load %arg0[%get3A_93, %get3A_94] : memref<12x128xf32, #tpu.memory_space<vmem>>, vector<1x128xf32>
    %get3A_96 = arith.constant 0 : index
    %get3A_97 = arith.constant 0 : index
    %get3A_98 = vector.load %arg1[%get3A_96, %get3A_97] : memref<128x384xf32, #tpu.memory_space<vmem>>, vector<128x384xf32>
    %dot_general3A_99 = arith.constant dense<0.000000e+00> : vector<1x384xf32>
    %dot_general3A_100 = tpu.matmul %get3A_95, %get3A_98, %dot_general3A_99 {dimension_numbers = #tpu.dot_dimension_numbers<[1], [0], [0], [1], [0, 0, 1, 1], [], []>, transpose_lhs_hint = false} : vector<1x128xf32>, vector<128x384xf32>, vector<1x384xf32> -> vector<1x384xf32>
    %get3A_101 = arith.constant 0 : index
    %get3A_102 = arith.constant 0 : index
    %get3A_103 = vector.load %arg3[%get3A_101, %get3A_102] : memref<1x384xf32, #tpu.memory_space<vmem>>, vector<1x384xf32>
    %add3A_104 = arith.addf %dot_general3A_100, %get3A_103 : vector<1x384xf32>
    %get3A_105 = arith.constant 0 : index
    %get3A_106 = arith.constant 0 : index
    %get3A_107 = vector.load %arg2[%get3A_105, %get3A_106] : memref<128x384xf32, #tpu.memory_space<vmem>>, vector<128x384xf32>
    %dot_general3A_108 = arith.constant dense<0.000000e+00> : vector<1x384xf32>
    %dot_general3A_109 = tpu.matmul %add3A_92, %get3A_107, %dot_general3A_108 {dimension_numbers = #tpu.dot_dimension_numbers<[1], [0], [0], [1], [0, 0, 1, 1], [], []>, transpose_lhs_hint = false} : vector<1x128xf32>, vector<128x384xf32>, vector<1x384xf32> -> vector<1x384xf32>
    %get3A_110 = arith.constant 0 : index
    %get3A_111 = arith.constant 0 : index
    %get3A_112 = vector.load %arg4[%get3A_110, %get3A_111] : memref<1x384xf32, #tpu.memory_space<vmem>>, vector<1x384xf32>
    %add3A_113 = arith.addf %dot_general3A_109, %get3A_112 : vector<1x384xf32>
    %slice3A_114 = vector.extract_strided_slice %add3A_104 {offsets = [0, 0], sizes = [1, 128], strides = [1, 1]} : vector<1x384xf32> to vector<1x128xf32>
    %slice3A_115 = vector.extract_strided_slice %add3A_113 {offsets = [0, 0], sizes = [1, 128], strides = [1, 1]} : vector<1x384xf32> to vector<1x128xf32>
    %add3A_116 = arith.addf %slice3A_114, %slice3A_115 : vector<1x128xf32>
    %logistic3A_117 = arith.negf %add3A_116 : vector<1x128xf32>
    %logistic3A_118 = math.exp %logistic3A_117 : vector<1x128xf32>
    %logistic3A_119 = arith.constant 1.000000e+00 : f32
    %logistic3A_120 = vector.broadcast %logistic3A_119 : f32 to vector<1x128xf32>
    %logistic3A_121 = arith.addf %logistic3A_120, %logistic3A_118 : vector<1x128xf32>
    %logistic3A_122 = arith.divf %logistic3A_120, %logistic3A_121 : vector<1x128xf32>
    %slice3A_123 = vector.extract_strided_slice %add3A_104 {offsets = [0, 128], sizes = [1, 128], strides = [1, 1]} : vector<1x384xf32> to vector<1x128xf32>
    %slice3A_124 = vector.extract_strided_slice %add3A_113 {offsets = [0, 128], sizes = [1, 128], strides = [1, 1]} : vector<1x384xf32> to vector<1x128xf32>
    %add3A_125 = arith.addf %slice3A_123, %slice3A_124 : vector<1x128xf32>
    %logistic3A_126 = arith.negf %add3A_125 : vector<1x128xf32>
    %logistic3A_127 = math.exp %logistic3A_126 : vector<1x128xf32>
    %logistic3A_128 = arith.constant 1.000000e+00 : f32
    %logistic3A_129 = vector.broadcast %logistic3A_128 : f32 to vector<1x128xf32>
    %logistic3A_130 = arith.addf %logistic3A_129, %logistic3A_127 : vector<1x128xf32>
    %logistic3A_131 = arith.divf %logistic3A_129, %logistic3A_130 : vector<1x128xf32>
    %slice3A_132 = vector.extract_strided_slice %add3A_104 {offsets = [0, 256], sizes = [1, 128], strides = [1, 1]} : vector<1x384xf32> to vector<1x128xf32>
    %slice3A_133 = vector.extract_strided_slice %add3A_113 {offsets = [0, 256], sizes = [1, 128], strides = [1, 1]} : vector<1x384xf32> to vector<1x128xf32>
    %mul3A_134 = arith.mulf %logistic3A_122, %slice3A_133 : vector<1x128xf32>
    %add3A_135 = arith.addf %slice3A_132, %mul3A_134 : vector<1x128xf32>
    %tanh3A_136 = math.tanh %add3A_135 : vector<1x128xf32>
    %sub3A_137 = arith.constant 1.000000e+00 : f32
    %sub3A_138 = vector.broadcast %sub3A_137 : f32 to vector<1x128xf32>
    %sub3A_139 = arith.subf %sub3A_138, %logistic3A_131 : vector<1x128xf32>
    %mul3A_140 = arith.mulf %sub3A_139, %tanh3A_136 : vector<1x128xf32>
    %mul3A_141 = arith.mulf %logistic3A_131, %add3A_92 : vector<1x128xf32>
    %add3A_142 = arith.addf %mul3A_140, %mul3A_141 : vector<1x128xf32>
    %get3A_143 = arith.constant 3 : index
    %get3A_144 = arith.constant 0 : index
    %get3A_145 = vector.load %arg0[%get3A_143, %get3A_144] : memref<12x128xf32, #tpu.memory_space<vmem>>, vector<1x128xf32>
    %get3A_146 = arith.constant 0 : index
    %get3A_147 = arith.constant 0 : index
    %get3A_148 = vector.load %arg1[%get3A_146, %get3A_147] : memref<128x384xf32, #tpu.memory_space<vmem>>, vector<128x384xf32>
    %dot_general3A_149 = arith.constant dense<0.000000e+00> : vector<1x384xf32>
    %dot_general3A_150 = tpu.matmul %get3A_145, %get3A_148, %dot_general3A_149 {dimension_numbers = #tpu.dot_dimension_numbers<[1], [0], [0], [1], [0, 0, 1, 1], [], []>, transpose_lhs_hint = false} : vector<1x128xf32>, vector<128x384xf32>, vector<1x384xf32> -> vector<1x384xf32>
    %get3A_151 = arith.constant 0 : index
    %get3A_152 = arith.constant 0 : index
    %get3A_153 = vector.load %arg3[%get3A_151, %get3A_152] : memref<1x384xf32, #tpu.memory_space<vmem>>, vector<1x384xf32>
    %add3A_154 = arith.addf %dot_general3A_150, %get3A_153 : vector<1x384xf32>
    %get3A_155 = arith.constant 0 : index
    %get3A_156 = arith.constant 0 : index
    %get3A_157 = vector.load %arg2[%get3A_155, %get3A_156] : memref<128x384xf32, #tpu.memory_space<vmem>>, vector<128x384xf32>
    %dot_general3A_158 = arith.constant dense<0.000000e+00> : vector<1x384xf32>
    %dot_general3A_159 = tpu.matmul %add3A_142, %get3A_157, %dot_general3A_158 {dimension_numbers = #tpu.dot_dimension_numbers<[1], [0], [0], [1], [0, 0, 1, 1], [], []>, transpose_lhs_hint = false} : vector<1x128xf32>, vector<128x384xf32>, vector<1x384xf32> -> vector<1x384xf32>
    %get3A_160 = arith.constant 0 : index
    %get3A_161 = arith.constant 0 : index
    %get3A_162 = vector.load %arg4[%get3A_160, %get3A_161] : memref<1x384xf32, #tpu.memory_space<vmem>>, vector<1x384xf32>
    %add3A_163 = arith.addf %dot_general3A_159, %get3A_162 : vector<1x384xf32>
    %slice3A_164 = vector.extract_strided_slice %add3A_154 {offsets = [0, 0], sizes = [1, 128], strides = [1, 1]} : vector<1x384xf32> to vector<1x128xf32>
    %slice3A_165 = vector.extract_strided_slice %add3A_163 {offsets = [0, 0], sizes = [1, 128], strides = [1, 1]} : vector<1x384xf32> to vector<1x128xf32>
    %add3A_166 = arith.addf %slice3A_164, %slice3A_165 : vector<1x128xf32>
    %logistic3A_167 = arith.negf %add3A_166 : vector<1x128xf32>
    %logistic3A_168 = math.exp %logistic3A_167 : vector<1x128xf32>
    %logistic3A_169 = arith.constant 1.000000e+00 : f32
    %logistic3A_170 = vector.broadcast %logistic3A_169 : f32 to vector<1x128xf32>
    %logistic3A_171 = arith.addf %logistic3A_170, %logistic3A_168 : vector<1x128xf32>
    %logistic3A_172 = arith.divf %logistic3A_170, %logistic3A_171 : vector<1x128xf32>
    %slice3A_173 = vector.extract_strided_slice %add3A_154 {offsets = [0, 128], sizes = [1, 128], strides = [1, 1]} : vector<1x384xf32> to vector<1x128xf32>
    %slice3A_174 = vector.extract_strided_slice %add3A_163 {offsets = [0, 128], sizes = [1, 128], strides = [1, 1]} : vector<1x384xf32> to vector<1x128xf32>
    %add3A_175 = arith.addf %slice3A_173, %slice3A_174 : vector<1x128xf32>
    %logistic3A_176 = arith.negf %add3A_175 : vector<1x128xf32>
    %logistic3A_177 = math.exp %logistic3A_176 : vector<1x128xf32>
    %logistic3A_178 = arith.constant 1.000000e+00 : f32
    %logistic3A_179 = vector.broadcast %logistic3A_178 : f32 to vector<1x128xf32>
    %logistic3A_180 = arith.addf %logistic3A_179, %logistic3A_177 : vector<1x128xf32>
    %logistic3A_181 = arith.divf %logistic3A_179, %logistic3A_180 : vector<1x128xf32>
    %slice3A_182 = vector.extract_strided_slice %add3A_154 {offsets = [0, 256], sizes = [1, 128], strides = [1, 1]} : vector<1x384xf32> to vector<1x128xf32>
    %slice3A_183 = vector.extract_strided_slice %add3A_163 {offsets = [0, 256], sizes = [1, 128], strides = [1, 1]} : vector<1x384xf32> to vector<1x128xf32>
    %mul3A_184 = arith.mulf %logistic3A_172, %slice3A_183 : vector<1x128xf32>
    %add3A_185 = arith.addf %slice3A_182, %mul3A_184 : vector<1x128xf32>
    %tanh3A_186 = math.tanh %add3A_185 : vector<1x128xf32>
    %sub3A_187 = arith.constant 1.000000e+00 : f32
    %sub3A_188 = vector.broadcast %sub3A_187 : f32 to vector<1x128xf32>
    %sub3A_189 = arith.subf %sub3A_188, %logistic3A_181 : vector<1x128xf32>
    %mul3A_190 = arith.mulf %sub3A_189, %tanh3A_186 : vector<1x128xf32>
    %mul3A_191 = arith.mulf %logistic3A_181, %add3A_142 : vector<1x128xf32>
    %add3A_192 = arith.addf %mul3A_190, %mul3A_191 : vector<1x128xf32>
    %get3A_193 = arith.constant 4 : index
    %get3A_194 = arith.constant 0 : index
    %get3A_195 = vector.load %arg0[%get3A_193, %get3A_194] : memref<12x128xf32, #tpu.memory_space<vmem>>, vector<1x128xf32>
    %get3A_196 = arith.constant 0 : index
    %get3A_197 = arith.constant 0 : index
    %get3A_198 = vector.load %arg1[%get3A_196, %get3A_197] : memref<128x384xf32, #tpu.memory_space<vmem>>, vector<128x384xf32>
    %dot_general3A_199 = arith.constant dense<0.000000e+00> : vector<1x384xf32>
    %dot_general3A_200 = tpu.matmul %get3A_195, %get3A_198, %dot_general3A_199 {dimension_numbers = #tpu.dot_dimension_numbers<[1], [0], [0], [1], [0, 0, 1, 1], [], []>, transpose_lhs_hint = false} : vector<1x128xf32>, vector<128x384xf32>, vector<1x384xf32> -> vector<1x384xf32>
    %get3A_201 = arith.constant 0 : index
    %get3A_202 = arith.constant 0 : index
    %get3A_203 = vector.load %arg3[%get3A_201, %get3A_202] : memref<1x384xf32, #tpu.memory_space<vmem>>, vector<1x384xf32>
    %add3A_204 = arith.addf %dot_general3A_200, %get3A_203 : vector<1x384xf32>
    %get3A_205 = arith.constant 0 : index
    %get3A_206 = arith.constant 0 : index
    %get3A_207 = vector.load %arg2[%get3A_205, %get3A_206] : memref<128x384xf32, #tpu.memory_space<vmem>>, vector<128x384xf32>
    %dot_general3A_208 = arith.constant dense<0.000000e+00> : vector<1x384xf32>
    %dot_general3A_209 = tpu.matmul %add3A_192, %get3A_207, %dot_general3A_208 {dimension_numbers = #tpu.dot_dimension_numbers<[1], [0], [0], [1], [0, 0, 1, 1], [], []>, transpose_lhs_hint = false} : vector<1x128xf32>, vector<128x384xf32>, vector<1x384xf32> -> vector<1x384xf32>
    %get3A_210 = arith.constant 0 : index
    %get3A_211 = arith.constant 0 : index
    %get3A_212 = vector.load %arg4[%get3A_210, %get3A_211] : memref<1x384xf32, #tpu.memory_space<vmem>>, vector<1x384xf32>
    %add3A_213 = arith.addf %dot_general3A_209, %get3A_212 : vector<1x384xf32>
    %slice3A_214 = vector.extract_strided_slice %add3A_204 {offsets = [0, 0], sizes = [1, 128], strides = [1, 1]} : vector<1x384xf32> to vector<1x128xf32>
    %slice3A_215 = vector.extract_strided_slice %add3A_213 {offsets = [0, 0], sizes = [1, 128], strides = [1, 1]} : vector<1x384xf32> to vector<1x128xf32>
    %add3A_216 = arith.addf %slice3A_214, %slice3A_215 : vector<1x128xf32>
    %logistic3A_217 = arith.negf %add3A_216 : vector<1x128xf32>
    %logistic3A_218 = math.exp %logistic3A_217 : vector<1x128xf32>
    %logistic3A_219 = arith.constant 1.000000e+00 : f32
    %logistic3A_220 = vector.broadcast %logistic3A_219 : f32 to vector<1x128xf32>
    %logistic3A_221 = arith.addf %logistic3A_220, %logistic3A_218 : vector<1x128xf32>
    %logistic3A_222 = arith.divf %logistic3A_220, %logistic3A_221 : vector<1x128xf32>
    %slice3A_223 = vector.extract_strided_slice %add3A_204 {offsets = [0, 128], sizes = [1, 128], strides = [1, 1]} : vector<1x384xf32> to vector<1x128xf32>
    %slice3A_224 = vector.extract_strided_slice %add3A_213 {offsets = [0, 128], sizes = [1, 128], strides = [1, 1]} : vector<1x384xf32> to vector<1x128xf32>
    %add3A_225 = arith.addf %slice3A_223, %slice3A_224 : vector<1x128xf32>
    %logistic3A_226 = arith.negf %add3A_225 : vector<1x128xf32>
    %logistic3A_227 = math.exp %logistic3A_226 : vector<1x128xf32>
    %logistic3A_228 = arith.constant 1.000000e+00 : f32
    %logistic3A_229 = vector.broadcast %logistic3A_228 : f32 to vector<1x128xf32>
    %logistic3A_230 = arith.addf %logistic3A_229, %logistic3A_227 : vector<1x128xf32>
    %logistic3A_231 = arith.divf %logistic3A_229, %logistic3A_230 : vector<1x128xf32>
    %slice3A_232 = vector.extract_strided_slice %add3A_204 {offsets = [0, 256], sizes = [1, 128], strides = [1, 1]} : vector<1x384xf32> to vector<1x128xf32>
    %slice3A_233 = vector.extract_strided_slice %add3A_213 {offsets = [0, 256], sizes = [1, 128], strides = [1, 1]} : vector<1x384xf32> to vector<1x128xf32>
    %mul3A_234 = arith.mulf %logistic3A_222, %slice3A_233 : vector<1x128xf32>
    %add3A_235 = arith.addf %slice3A_232, %mul3A_234 : vector<1x128xf32>
    %tanh3A_236 = math.tanh %add3A_235 : vector<1x128xf32>
    %sub3A_237 = arith.constant 1.000000e+00 : f32
    %sub3A_238 = vector.broadcast %sub3A_237 : f32 to vector<1x128xf32>
    %sub3A_239 = arith.subf %sub3A_238, %logistic3A_231 : vector<1x128xf32>
    %mul3A_240 = arith.mulf %sub3A_239, %tanh3A_236 : vector<1x128xf32>
    %mul3A_241 = arith.mulf %logistic3A_231, %add3A_192 : vector<1x128xf32>
    %add3A_242 = arith.addf %mul3A_240, %mul3A_241 : vector<1x128xf32>
    %get3A_243 = arith.constant 5 : index
    %get3A_244 = arith.constant 0 : index
    %get3A_245 = vector.load %arg0[%get3A_243, %get3A_244] : memref<12x128xf32, #tpu.memory_space<vmem>>, vector<1x128xf32>
    %get3A_246 = arith.constant 0 : index
    %get3A_247 = arith.constant 0 : index
    %get3A_248 = vector.load %arg1[%get3A_246, %get3A_247] : memref<128x384xf32, #tpu.memory_space<vmem>>, vector<128x384xf32>
    %dot_general3A_249 = arith.constant dense<0.000000e+00> : vector<1x384xf32>
    %dot_general3A_250 = tpu.matmul %get3A_245, %get3A_248, %dot_general3A_249 {dimension_numbers = #tpu.dot_dimension_numbers<[1], [0], [0], [1], [0, 0, 1, 1], [], []>, transpose_lhs_hint = false} : vector<1x128xf32>, vector<128x384xf32>, vector<1x384xf32> -> vector<1x384xf32>
    %get3A_251 = arith.constant 0 : index
    %get3A_252 = arith.constant 0 : index
    %get3A_253 = vector.load %arg3[%get3A_251, %get3A_252] : memref<1x384xf32, #tpu.memory_space<vmem>>, vector<1x384xf32>
    %add3A_254 = arith.addf %dot_general3A_250, %get3A_253 : vector<1x384xf32>
    %get3A_255 = arith.constant 0 : index
    %get3A_256 = arith.constant 0 : index
    %get3A_257 = vector.load %arg2[%get3A_255, %get3A_256] : memref<128x384xf32, #tpu.memory_space<vmem>>, vector<128x384xf32>
    %dot_general3A_258 = arith.constant dense<0.000000e+00> : vector<1x384xf32>
    %dot_general3A_259 = tpu.matmul %add3A_242, %get3A_257, %dot_general3A_258 {dimension_numbers = #tpu.dot_dimension_numbers<[1], [0], [0], [1], [0, 0, 1, 1], [], []>, transpose_lhs_hint = false} : vector<1x128xf32>, vector<128x384xf32>, vector<1x384xf32> -> vector<1x384xf32>
    %get3A_260 = arith.constant 0 : index
    %get3A_261 = arith.constant 0 : index
    %get3A_262 = vector.load %arg4[%get3A_260, %get3A_261] : memref<1x384xf32, #tpu.memory_space<vmem>>, vector<1x384xf32>
    %add3A_263 = arith.addf %dot_general3A_259, %get3A_262 : vector<1x384xf32>
    %slice3A_264 = vector.extract_strided_slice %add3A_254 {offsets = [0, 0], sizes = [1, 128], strides = [1, 1]} : vector<1x384xf32> to vector<1x128xf32>
    %slice3A_265 = vector.extract_strided_slice %add3A_263 {offsets = [0, 0], sizes = [1, 128], strides = [1, 1]} : vector<1x384xf32> to vector<1x128xf32>
    %add3A_266 = arith.addf %slice3A_264, %slice3A_265 : vector<1x128xf32>
    %logistic3A_267 = arith.negf %add3A_266 : vector<1x128xf32>
    %logistic3A_268 = math.exp %logistic3A_267 : vector<1x128xf32>
    %logistic3A_269 = arith.constant 1.000000e+00 : f32
    %logistic3A_270 = vector.broadcast %logistic3A_269 : f32 to vector<1x128xf32>
    %logistic3A_271 = arith.addf %logistic3A_270, %logistic3A_268 : vector<1x128xf32>
    %logistic3A_272 = arith.divf %logistic3A_270, %logistic3A_271 : vector<1x128xf32>
    %slice3A_273 = vector.extract_strided_slice %add3A_254 {offsets = [0, 128], sizes = [1, 128], strides = [1, 1]} : vector<1x384xf32> to vector<1x128xf32>
    %slice3A_274 = vector.extract_strided_slice %add3A_263 {offsets = [0, 128], sizes = [1, 128], strides = [1, 1]} : vector<1x384xf32> to vector<1x128xf32>
    %add3A_275 = arith.addf %slice3A_273, %slice3A_274 : vector<1x128xf32>
    %logistic3A_276 = arith.negf %add3A_275 : vector<1x128xf32>
    %logistic3A_277 = math.exp %logistic3A_276 : vector<1x128xf32>
    %logistic3A_278 = arith.constant 1.000000e+00 : f32
    %logistic3A_279 = vector.broadcast %logistic3A_278 : f32 to vector<1x128xf32>
    %logistic3A_280 = arith.addf %logistic3A_279, %logistic3A_277 : vector<1x128xf32>
    %logistic3A_281 = arith.divf %logistic3A_279, %logistic3A_280 : vector<1x128xf32>
    %slice3A_282 = vector.extract_strided_slice %add3A_254 {offsets = [0, 256], sizes = [1, 128], strides = [1, 1]} : vector<1x384xf32> to vector<1x128xf32>
    %slice3A_283 = vector.extract_strided_slice %add3A_263 {offsets = [0, 256], sizes = [1, 128], strides = [1, 1]} : vector<1x384xf32> to vector<1x128xf32>
    %mul3A_284 = arith.mulf %logistic3A_272, %slice3A_283 : vector<1x128xf32>
    %add3A_285 = arith.addf %slice3A_282, %mul3A_284 : vector<1x128xf32>
    %tanh3A_286 = math.tanh %add3A_285 : vector<1x128xf32>
    %sub3A_287 = arith.constant 1.000000e+00 : f32
    %sub3A_288 = vector.broadcast %sub3A_287 : f32 to vector<1x128xf32>
    %sub3A_289 = arith.subf %sub3A_288, %logistic3A_281 : vector<1x128xf32>
    %mul3A_290 = arith.mulf %sub3A_289, %tanh3A_286 : vector<1x128xf32>
    %mul3A_291 = arith.mulf %logistic3A_281, %add3A_242 : vector<1x128xf32>
    %add3A_292 = arith.addf %mul3A_290, %mul3A_291 : vector<1x128xf32>
    %get3A_293 = arith.constant 6 : index
    %get3A_294 = arith.constant 0 : index
    %get3A_295 = vector.load %arg0[%get3A_293, %get3A_294] : memref<12x128xf32, #tpu.memory_space<vmem>>, vector<1x128xf32>
    %get3A_296 = arith.constant 0 : index
    %get3A_297 = arith.constant 0 : index
    %get3A_298 = vector.load %arg1[%get3A_296, %get3A_297] : memref<128x384xf32, #tpu.memory_space<vmem>>, vector<128x384xf32>
    %dot_general3A_299 = arith.constant dense<0.000000e+00> : vector<1x384xf32>
    %dot_general3A_300 = tpu.matmul %get3A_295, %get3A_298, %dot_general3A_299 {dimension_numbers = #tpu.dot_dimension_numbers<[1], [0], [0], [1], [0, 0, 1, 1], [], []>, transpose_lhs_hint = false} : vector<1x128xf32>, vector<128x384xf32>, vector<1x384xf32> -> vector<1x384xf32>
    %get3A_301 = arith.constant 0 : index
    %get3A_302 = arith.constant 0 : index
    %get3A_303 = vector.load %arg3[%get3A_301, %get3A_302] : memref<1x384xf32, #tpu.memory_space<vmem>>, vector<1x384xf32>
    %add3A_304 = arith.addf %dot_general3A_300, %get3A_303 : vector<1x384xf32>
    %get3A_305 = arith.constant 0 : index
    %get3A_306 = arith.constant 0 : index
    %get3A_307 = vector.load %arg2[%get3A_305, %get3A_306] : memref<128x384xf32, #tpu.memory_space<vmem>>, vector<128x384xf32>
    %dot_general3A_308 = arith.constant dense<0.000000e+00> : vector<1x384xf32>
    %dot_general3A_309 = tpu.matmul %add3A_292, %get3A_307, %dot_general3A_308 {dimension_numbers = #tpu.dot_dimension_numbers<[1], [0], [0], [1], [0, 0, 1, 1], [], []>, transpose_lhs_hint = false} : vector<1x128xf32>, vector<128x384xf32>, vector<1x384xf32> -> vector<1x384xf32>
    %get3A_310 = arith.constant 0 : index
    %get3A_311 = arith.constant 0 : index
    %get3A_312 = vector.load %arg4[%get3A_310, %get3A_311] : memref<1x384xf32, #tpu.memory_space<vmem>>, vector<1x384xf32>
    %add3A_313 = arith.addf %dot_general3A_309, %get3A_312 : vector<1x384xf32>
    %slice3A_314 = vector.extract_strided_slice %add3A_304 {offsets = [0, 0], sizes = [1, 128], strides = [1, 1]} : vector<1x384xf32> to vector<1x128xf32>
    %slice3A_315 = vector.extract_strided_slice %add3A_313 {offsets = [0, 0], sizes = [1, 128], strides = [1, 1]} : vector<1x384xf32> to vector<1x128xf32>
    %add3A_316 = arith.addf %slice3A_314, %slice3A_315 : vector<1x128xf32>
    %logistic3A_317 = arith.negf %add3A_316 : vector<1x128xf32>
    %logistic3A_318 = math.exp %logistic3A_317 : vector<1x128xf32>
    %logistic3A_319 = arith.constant 1.000000e+00 : f32
    %logistic3A_320 = vector.broadcast %logistic3A_319 : f32 to vector<1x128xf32>
    %logistic3A_321 = arith.addf %logistic3A_320, %logistic3A_318 : vector<1x128xf32>
    %logistic3A_322 = arith.divf %logistic3A_320, %logistic3A_321 : vector<1x128xf32>
    %slice3A_323 = vector.extract_strided_slice %add3A_304 {offsets = [0, 128], sizes = [1, 128], strides = [1, 1]} : vector<1x384xf32> to vector<1x128xf32>
    %slice3A_324 = vector.extract_strided_slice %add3A_313 {offsets = [0, 128], sizes = [1, 128], strides = [1, 1]} : vector<1x384xf32> to vector<1x128xf32>
    %add3A_325 = arith.addf %slice3A_323, %slice3A_324 : vector<1x128xf32>
    %logistic3A_326 = arith.negf %add3A_325 : vector<1x128xf32>
    %logistic3A_327 = math.exp %logistic3A_326 : vector<1x128xf32>
    %logistic3A_328 = arith.constant 1.000000e+00 : f32
    %logistic3A_329 = vector.broadcast %logistic3A_328 : f32 to vector<1x128xf32>
    %logistic3A_330 = arith.addf %logistic3A_329, %logistic3A_327 : vector<1x128xf32>
    %logistic3A_331 = arith.divf %logistic3A_329, %logistic3A_330 : vector<1x128xf32>
    %slice3A_332 = vector.extract_strided_slice %add3A_304 {offsets = [0, 256], sizes = [1, 128], strides = [1, 1]} : vector<1x384xf32> to vector<1x128xf32>
    %slice3A_333 = vector.extract_strided_slice %add3A_313 {offsets = [0, 256], sizes = [1, 128], strides = [1, 1]} : vector<1x384xf32> to vector<1x128xf32>
    %mul3A_334 = arith.mulf %logistic3A_322, %slice3A_333 : vector<1x128xf32>
    %add3A_335 = arith.addf %slice3A_332, %mul3A_334 : vector<1x128xf32>
    %tanh3A_336 = math.tanh %add3A_335 : vector<1x128xf32>
    %sub3A_337 = arith.constant 1.000000e+00 : f32
    %sub3A_338 = vector.broadcast %sub3A_337 : f32 to vector<1x128xf32>
    %sub3A_339 = arith.subf %sub3A_338, %logistic3A_331 : vector<1x128xf32>
    %mul3A_340 = arith.mulf %sub3A_339, %tanh3A_336 : vector<1x128xf32>
    %mul3A_341 = arith.mulf %logistic3A_331, %add3A_292 : vector<1x128xf32>
    %add3A_342 = arith.addf %mul3A_340, %mul3A_341 : vector<1x128xf32>
    %get3A_343 = arith.constant 7 : index
    %get3A_344 = arith.constant 0 : index
    %get3A_345 = vector.load %arg0[%get3A_343, %get3A_344] : memref<12x128xf32, #tpu.memory_space<vmem>>, vector<1x128xf32>
    %get3A_346 = arith.constant 0 : index
    %get3A_347 = arith.constant 0 : index
    %get3A_348 = vector.load %arg1[%get3A_346, %get3A_347] : memref<128x384xf32, #tpu.memory_space<vmem>>, vector<128x384xf32>
    %dot_general3A_349 = arith.constant dense<0.000000e+00> : vector<1x384xf32>
    %dot_general3A_350 = tpu.matmul %get3A_345, %get3A_348, %dot_general3A_349 {dimension_numbers = #tpu.dot_dimension_numbers<[1], [0], [0], [1], [0, 0, 1, 1], [], []>, transpose_lhs_hint = false} : vector<1x128xf32>, vector<128x384xf32>, vector<1x384xf32> -> vector<1x384xf32>
    %get3A_351 = arith.constant 0 : index
    %get3A_352 = arith.constant 0 : index
    %get3A_353 = vector.load %arg3[%get3A_351, %get3A_352] : memref<1x384xf32, #tpu.memory_space<vmem>>, vector<1x384xf32>
    %add3A_354 = arith.addf %dot_general3A_350, %get3A_353 : vector<1x384xf32>
    %get3A_355 = arith.constant 0 : index
    %get3A_356 = arith.constant 0 : index
    %get3A_357 = vector.load %arg2[%get3A_355, %get3A_356] : memref<128x384xf32, #tpu.memory_space<vmem>>, vector<128x384xf32>
    %dot_general3A_358 = arith.constant dense<0.000000e+00> : vector<1x384xf32>
    %dot_general3A_359 = tpu.matmul %add3A_342, %get3A_357, %dot_general3A_358 {dimension_numbers = #tpu.dot_dimension_numbers<[1], [0], [0], [1], [0, 0, 1, 1], [], []>, transpose_lhs_hint = false} : vector<1x128xf32>, vector<128x384xf32>, vector<1x384xf32> -> vector<1x384xf32>
    %get3A_360 = arith.constant 0 : index
    %get3A_361 = arith.constant 0 : index
    %get3A_362 = vector.load %arg4[%get3A_360, %get3A_361] : memref<1x384xf32, #tpu.memory_space<vmem>>, vector<1x384xf32>
    %add3A_363 = arith.addf %dot_general3A_359, %get3A_362 : vector<1x384xf32>
    %slice3A_364 = vector.extract_strided_slice %add3A_354 {offsets = [0, 0], sizes = [1, 128], strides = [1, 1]} : vector<1x384xf32> to vector<1x128xf32>
    %slice3A_365 = vector.extract_strided_slice %add3A_363 {offsets = [0, 0], sizes = [1, 128], strides = [1, 1]} : vector<1x384xf32> to vector<1x128xf32>
    %add3A_366 = arith.addf %slice3A_364, %slice3A_365 : vector<1x128xf32>
    %logistic3A_367 = arith.negf %add3A_366 : vector<1x128xf32>
    %logistic3A_368 = math.exp %logistic3A_367 : vector<1x128xf32>
    %logistic3A_369 = arith.constant 1.000000e+00 : f32
    %logistic3A_370 = vector.broadcast %logistic3A_369 : f32 to vector<1x128xf32>
    %logistic3A_371 = arith.addf %logistic3A_370, %logistic3A_368 : vector<1x128xf32>
    %logistic3A_372 = arith.divf %logistic3A_370, %logistic3A_371 : vector<1x128xf32>
    %slice3A_373 = vector.extract_strided_slice %add3A_354 {offsets = [0, 128], sizes = [1, 128], strides = [1, 1]} : vector<1x384xf32> to vector<1x128xf32>
    %slice3A_374 = vector.extract_strided_slice %add3A_363 {offsets = [0, 128], sizes = [1, 128], strides = [1, 1]} : vector<1x384xf32> to vector<1x128xf32>
    %add3A_375 = arith.addf %slice3A_373, %slice3A_374 : vector<1x128xf32>
    %logistic3A_376 = arith.negf %add3A_375 : vector<1x128xf32>
    %logistic3A_377 = math.exp %logistic3A_376 : vector<1x128xf32>
    %logistic3A_378 = arith.constant 1.000000e+00 : f32
    %logistic3A_379 = vector.broadcast %logistic3A_378 : f32 to vector<1x128xf32>
    %logistic3A_380 = arith.addf %logistic3A_379, %logistic3A_377 : vector<1x128xf32>
    %logistic3A_381 = arith.divf %logistic3A_379, %logistic3A_380 : vector<1x128xf32>
    %slice3A_382 = vector.extract_strided_slice %add3A_354 {offsets = [0, 256], sizes = [1, 128], strides = [1, 1]} : vector<1x384xf32> to vector<1x128xf32>
    %slice3A_383 = vector.extract_strided_slice %add3A_363 {offsets = [0, 256], sizes = [1, 128], strides = [1, 1]} : vector<1x384xf32> to vector<1x128xf32>
    %mul3A_384 = arith.mulf %logistic3A_372, %slice3A_383 : vector<1x128xf32>
    %add3A_385 = arith.addf %slice3A_382, %mul3A_384 : vector<1x128xf32>
    %tanh3A_386 = math.tanh %add3A_385 : vector<1x128xf32>
    %sub3A_387 = arith.constant 1.000000e+00 : f32
    %sub3A_388 = vector.broadcast %sub3A_387 : f32 to vector<1x128xf32>
    %sub3A_389 = arith.subf %sub3A_388, %logistic3A_381 : vector<1x128xf32>
    %mul3A_390 = arith.mulf %sub3A_389, %tanh3A_386 : vector<1x128xf32>
    %mul3A_391 = arith.mulf %logistic3A_381, %add3A_342 : vector<1x128xf32>
    %add3A_392 = arith.addf %mul3A_390, %mul3A_391 : vector<1x128xf32>
    %get3A_393 = arith.constant 8 : index
    %get3A_394 = arith.constant 0 : index
    %get3A_395 = vector.load %arg0[%get3A_393, %get3A_394] : memref<12x128xf32, #tpu.memory_space<vmem>>, vector<1x128xf32>
    %get3A_396 = arith.constant 0 : index
    %get3A_397 = arith.constant 0 : index
    %get3A_398 = vector.load %arg1[%get3A_396, %get3A_397] : memref<128x384xf32, #tpu.memory_space<vmem>>, vector<128x384xf32>
    %dot_general3A_399 = arith.constant dense<0.000000e+00> : vector<1x384xf32>
    %dot_general3A_400 = tpu.matmul %get3A_395, %get3A_398, %dot_general3A_399 {dimension_numbers = #tpu.dot_dimension_numbers<[1], [0], [0], [1], [0, 0, 1, 1], [], []>, transpose_lhs_hint = false} : vector<1x128xf32>, vector<128x384xf32>, vector<1x384xf32> -> vector<1x384xf32>
    %get3A_401 = arith.constant 0 : index
    %get3A_402 = arith.constant 0 : index
    %get3A_403 = vector.load %arg3[%get3A_401, %get3A_402] : memref<1x384xf32, #tpu.memory_space<vmem>>, vector<1x384xf32>
    %add3A_404 = arith.addf %dot_general3A_400, %get3A_403 : vector<1x384xf32>
    %get3A_405 = arith.constant 0 : index
    %get3A_406 = arith.constant 0 : index
    %get3A_407 = vector.load %arg2[%get3A_405, %get3A_406] : memref<128x384xf32, #tpu.memory_space<vmem>>, vector<128x384xf32>
    %dot_general3A_408 = arith.constant dense<0.000000e+00> : vector<1x384xf32>
    %dot_general3A_409 = tpu.matmul %add3A_392, %get3A_407, %dot_general3A_408 {dimension_numbers = #tpu.dot_dimension_numbers<[1], [0], [0], [1], [0, 0, 1, 1], [], []>, transpose_lhs_hint = false} : vector<1x128xf32>, vector<128x384xf32>, vector<1x384xf32> -> vector<1x384xf32>
    %get3A_410 = arith.constant 0 : index
    %get3A_411 = arith.constant 0 : index
    %get3A_412 = vector.load %arg4[%get3A_410, %get3A_411] : memref<1x384xf32, #tpu.memory_space<vmem>>, vector<1x384xf32>
    %add3A_413 = arith.addf %dot_general3A_409, %get3A_412 : vector<1x384xf32>
    %slice3A_414 = vector.extract_strided_slice %add3A_404 {offsets = [0, 0], sizes = [1, 128], strides = [1, 1]} : vector<1x384xf32> to vector<1x128xf32>
    %slice3A_415 = vector.extract_strided_slice %add3A_413 {offsets = [0, 0], sizes = [1, 128], strides = [1, 1]} : vector<1x384xf32> to vector<1x128xf32>
    %add3A_416 = arith.addf %slice3A_414, %slice3A_415 : vector<1x128xf32>
    %logistic3A_417 = arith.negf %add3A_416 : vector<1x128xf32>
    %logistic3A_418 = math.exp %logistic3A_417 : vector<1x128xf32>
    %logistic3A_419 = arith.constant 1.000000e+00 : f32
    %logistic3A_420 = vector.broadcast %logistic3A_419 : f32 to vector<1x128xf32>
    %logistic3A_421 = arith.addf %logistic3A_420, %logistic3A_418 : vector<1x128xf32>
    %logistic3A_422 = arith.divf %logistic3A_420, %logistic3A_421 : vector<1x128xf32>
    %slice3A_423 = vector.extract_strided_slice %add3A_404 {offsets = [0, 128], sizes = [1, 128], strides = [1, 1]} : vector<1x384xf32> to vector<1x128xf32>
    %slice3A_424 = vector.extract_strided_slice %add3A_413 {offsets = [0, 128], sizes = [1, 128], strides = [1, 1]} : vector<1x384xf32> to vector<1x128xf32>
    %add3A_425 = arith.addf %slice3A_423, %slice3A_424 : vector<1x128xf32>
    %logistic3A_426 = arith.negf %add3A_425 : vector<1x128xf32>
    %logistic3A_427 = math.exp %logistic3A_426 : vector<1x128xf32>
    %logistic3A_428 = arith.constant 1.000000e+00 : f32
    %logistic3A_429 = vector.broadcast %logistic3A_428 : f32 to vector<1x128xf32>
    %logistic3A_430 = arith.addf %logistic3A_429, %logistic3A_427 : vector<1x128xf32>
    %logistic3A_431 = arith.divf %logistic3A_429, %logistic3A_430 : vector<1x128xf32>
    %slice3A_432 = vector.extract_strided_slice %add3A_404 {offsets = [0, 256], sizes = [1, 128], strides = [1, 1]} : vector<1x384xf32> to vector<1x128xf32>
    %slice3A_433 = vector.extract_strided_slice %add3A_413 {offsets = [0, 256], sizes = [1, 128], strides = [1, 1]} : vector<1x384xf32> to vector<1x128xf32>
    %mul3A_434 = arith.mulf %logistic3A_422, %slice3A_433 : vector<1x128xf32>
    %add3A_435 = arith.addf %slice3A_432, %mul3A_434 : vector<1x128xf32>
    %tanh3A_436 = math.tanh %add3A_435 : vector<1x128xf32>
    %sub3A_437 = arith.constant 1.000000e+00 : f32
    %sub3A_438 = vector.broadcast %sub3A_437 : f32 to vector<1x128xf32>
    %sub3A_439 = arith.subf %sub3A_438, %logistic3A_431 : vector<1x128xf32>
    %mul3A_440 = arith.mulf %sub3A_439, %tanh3A_436 : vector<1x128xf32>
    %mul3A_441 = arith.mulf %logistic3A_431, %add3A_392 : vector<1x128xf32>
    %add3A_442 = arith.addf %mul3A_440, %mul3A_441 : vector<1x128xf32>
    %get3A_443 = arith.constant 9 : index
    %get3A_444 = arith.constant 0 : index
    %get3A_445 = vector.load %arg0[%get3A_443, %get3A_444] : memref<12x128xf32, #tpu.memory_space<vmem>>, vector<1x128xf32>
    %get3A_446 = arith.constant 0 : index
    %get3A_447 = arith.constant 0 : index
    %get3A_448 = vector.load %arg1[%get3A_446, %get3A_447] : memref<128x384xf32, #tpu.memory_space<vmem>>, vector<128x384xf32>
    %dot_general3A_449 = arith.constant dense<0.000000e+00> : vector<1x384xf32>
    %dot_general3A_450 = tpu.matmul %get3A_445, %get3A_448, %dot_general3A_449 {dimension_numbers = #tpu.dot_dimension_numbers<[1], [0], [0], [1], [0, 0, 1, 1], [], []>, transpose_lhs_hint = false} : vector<1x128xf32>, vector<128x384xf32>, vector<1x384xf32> -> vector<1x384xf32>
    %get3A_451 = arith.constant 0 : index
    %get3A_452 = arith.constant 0 : index
    %get3A_453 = vector.load %arg3[%get3A_451, %get3A_452] : memref<1x384xf32, #tpu.memory_space<vmem>>, vector<1x384xf32>
    %add3A_454 = arith.addf %dot_general3A_450, %get3A_453 : vector<1x384xf32>
    %get3A_455 = arith.constant 0 : index
    %get3A_456 = arith.constant 0 : index
    %get3A_457 = vector.load %arg2[%get3A_455, %get3A_456] : memref<128x384xf32, #tpu.memory_space<vmem>>, vector<128x384xf32>
    %dot_general3A_458 = arith.constant dense<0.000000e+00> : vector<1x384xf32>
    %dot_general3A_459 = tpu.matmul %add3A_442, %get3A_457, %dot_general3A_458 {dimension_numbers = #tpu.dot_dimension_numbers<[1], [0], [0], [1], [0, 0, 1, 1], [], []>, transpose_lhs_hint = false} : vector<1x128xf32>, vector<128x384xf32>, vector<1x384xf32> -> vector<1x384xf32>
    %get3A_460 = arith.constant 0 : index
    %get3A_461 = arith.constant 0 : index
    %get3A_462 = vector.load %arg4[%get3A_460, %get3A_461] : memref<1x384xf32, #tpu.memory_space<vmem>>, vector<1x384xf32>
    %add3A_463 = arith.addf %dot_general3A_459, %get3A_462 : vector<1x384xf32>
    %slice3A_464 = vector.extract_strided_slice %add3A_454 {offsets = [0, 0], sizes = [1, 128], strides = [1, 1]} : vector<1x384xf32> to vector<1x128xf32>
    %slice3A_465 = vector.extract_strided_slice %add3A_463 {offsets = [0, 0], sizes = [1, 128], strides = [1, 1]} : vector<1x384xf32> to vector<1x128xf32>
    %add3A_466 = arith.addf %slice3A_464, %slice3A_465 : vector<1x128xf32>
    %logistic3A_467 = arith.negf %add3A_466 : vector<1x128xf32>
    %logistic3A_468 = math.exp %logistic3A_467 : vector<1x128xf32>
    %logistic3A_469 = arith.constant 1.000000e+00 : f32
    %logistic3A_470 = vector.broadcast %logistic3A_469 : f32 to vector<1x128xf32>
    %logistic3A_471 = arith.addf %logistic3A_470, %logistic3A_468 : vector<1x128xf32>
    %logistic3A_472 = arith.divf %logistic3A_470, %logistic3A_471 : vector<1x128xf32>
    %slice3A_473 = vector.extract_strided_slice %add3A_454 {offsets = [0, 128], sizes = [1, 128], strides = [1, 1]} : vector<1x384xf32> to vector<1x128xf32>
    %slice3A_474 = vector.extract_strided_slice %add3A_463 {offsets = [0, 128], sizes = [1, 128], strides = [1, 1]} : vector<1x384xf32> to vector<1x128xf32>
    %add3A_475 = arith.addf %slice3A_473, %slice3A_474 : vector<1x128xf32>
    %logistic3A_476 = arith.negf %add3A_475 : vector<1x128xf32>
    %logistic3A_477 = math.exp %logistic3A_476 : vector<1x128xf32>
    %logistic3A_478 = arith.constant 1.000000e+00 : f32
    %logistic3A_479 = vector.broadcast %logistic3A_478 : f32 to vector<1x128xf32>
    %logistic3A_480 = arith.addf %logistic3A_479, %logistic3A_477 : vector<1x128xf32>
    %logistic3A_481 = arith.divf %logistic3A_479, %logistic3A_480 : vector<1x128xf32>
    %slice3A_482 = vector.extract_strided_slice %add3A_454 {offsets = [0, 256], sizes = [1, 128], strides = [1, 1]} : vector<1x384xf32> to vector<1x128xf32>
    %slice3A_483 = vector.extract_strided_slice %add3A_463 {offsets = [0, 256], sizes = [1, 128], strides = [1, 1]} : vector<1x384xf32> to vector<1x128xf32>
    %mul3A_484 = arith.mulf %logistic3A_472, %slice3A_483 : vector<1x128xf32>
    %add3A_485 = arith.addf %slice3A_482, %mul3A_484 : vector<1x128xf32>
    %tanh3A_486 = math.tanh %add3A_485 : vector<1x128xf32>
    %sub3A_487 = arith.constant 1.000000e+00 : f32
    %sub3A_488 = vector.broadcast %sub3A_487 : f32 to vector<1x128xf32>
    %sub3A_489 = arith.subf %sub3A_488, %logistic3A_481 : vector<1x128xf32>
    %mul3A_490 = arith.mulf %sub3A_489, %tanh3A_486 : vector<1x128xf32>
    %mul3A_491 = arith.mulf %logistic3A_481, %add3A_442 : vector<1x128xf32>
    %add3A_492 = arith.addf %mul3A_490, %mul3A_491 : vector<1x128xf32>
    %get3A_493 = arith.constant 10 : index
    %get3A_494 = arith.constant 0 : index
    %get3A_495 = vector.load %arg0[%get3A_493, %get3A_494] : memref<12x128xf32, #tpu.memory_space<vmem>>, vector<1x128xf32>
    %get3A_496 = arith.constant 0 : index
    %get3A_497 = arith.constant 0 : index
    %get3A_498 = vector.load %arg1[%get3A_496, %get3A_497] : memref<128x384xf32, #tpu.memory_space<vmem>>, vector<128x384xf32>
    %dot_general3A_499 = arith.constant dense<0.000000e+00> : vector<1x384xf32>
    %dot_general3A_500 = tpu.matmul %get3A_495, %get3A_498, %dot_general3A_499 {dimension_numbers = #tpu.dot_dimension_numbers<[1], [0], [0], [1], [0, 0, 1, 1], [], []>, transpose_lhs_hint = false} : vector<1x128xf32>, vector<128x384xf32>, vector<1x384xf32> -> vector<1x384xf32>
    %get3A_501 = arith.constant 0 : index
    %get3A_502 = arith.constant 0 : index
    %get3A_503 = vector.load %arg3[%get3A_501, %get3A_502] : memref<1x384xf32, #tpu.memory_space<vmem>>, vector<1x384xf32>
    %add3A_504 = arith.addf %dot_general3A_500, %get3A_503 : vector<1x384xf32>
    %get3A_505 = arith.constant 0 : index
    %get3A_506 = arith.constant 0 : index
    %get3A_507 = vector.load %arg2[%get3A_505, %get3A_506] : memref<128x384xf32, #tpu.memory_space<vmem>>, vector<128x384xf32>
    %dot_general3A_508 = arith.constant dense<0.000000e+00> : vector<1x384xf32>
    %dot_general3A_509 = tpu.matmul %add3A_492, %get3A_507, %dot_general3A_508 {dimension_numbers = #tpu.dot_dimension_numbers<[1], [0], [0], [1], [0, 0, 1, 1], [], []>, transpose_lhs_hint = false} : vector<1x128xf32>, vector<128x384xf32>, vector<1x384xf32> -> vector<1x384xf32>
    %get3A_510 = arith.constant 0 : index
    %get3A_511 = arith.constant 0 : index
    %get3A_512 = vector.load %arg4[%get3A_510, %get3A_511] : memref<1x384xf32, #tpu.memory_space<vmem>>, vector<1x384xf32>
    %add3A_513 = arith.addf %dot_general3A_509, %get3A_512 : vector<1x384xf32>
    %slice3A_514 = vector.extract_strided_slice %add3A_504 {offsets = [0, 0], sizes = [1, 128], strides = [1, 1]} : vector<1x384xf32> to vector<1x128xf32>
    %slice3A_515 = vector.extract_strided_slice %add3A_513 {offsets = [0, 0], sizes = [1, 128], strides = [1, 1]} : vector<1x384xf32> to vector<1x128xf32>
    %add3A_516 = arith.addf %slice3A_514, %slice3A_515 : vector<1x128xf32>
    %logistic3A_517 = arith.negf %add3A_516 : vector<1x128xf32>
    %logistic3A_518 = math.exp %logistic3A_517 : vector<1x128xf32>
    %logistic3A_519 = arith.constant 1.000000e+00 : f32
    %logistic3A_520 = vector.broadcast %logistic3A_519 : f32 to vector<1x128xf32>
    %logistic3A_521 = arith.addf %logistic3A_520, %logistic3A_518 : vector<1x128xf32>
    %logistic3A_522 = arith.divf %logistic3A_520, %logistic3A_521 : vector<1x128xf32>
    %slice3A_523 = vector.extract_strided_slice %add3A_504 {offsets = [0, 128], sizes = [1, 128], strides = [1, 1]} : vector<1x384xf32> to vector<1x128xf32>
    %slice3A_524 = vector.extract_strided_slice %add3A_513 {offsets = [0, 128], sizes = [1, 128], strides = [1, 1]} : vector<1x384xf32> to vector<1x128xf32>
    %add3A_525 = arith.addf %slice3A_523, %slice3A_524 : vector<1x128xf32>
    %logistic3A_526 = arith.negf %add3A_525 : vector<1x128xf32>
    %logistic3A_527 = math.exp %logistic3A_526 : vector<1x128xf32>
    %logistic3A_528 = arith.constant 1.000000e+00 : f32
    %logistic3A_529 = vector.broadcast %logistic3A_528 : f32 to vector<1x128xf32>
    %logistic3A_530 = arith.addf %logistic3A_529, %logistic3A_527 : vector<1x128xf32>
    %logistic3A_531 = arith.divf %logistic3A_529, %logistic3A_530 : vector<1x128xf32>
    %slice3A_532 = vector.extract_strided_slice %add3A_504 {offsets = [0, 256], sizes = [1, 128], strides = [1, 1]} : vector<1x384xf32> to vector<1x128xf32>
    %slice3A_533 = vector.extract_strided_slice %add3A_513 {offsets = [0, 256], sizes = [1, 128], strides = [1, 1]} : vector<1x384xf32> to vector<1x128xf32>
    %mul3A_534 = arith.mulf %logistic3A_522, %slice3A_533 : vector<1x128xf32>
    %add3A_535 = arith.addf %slice3A_532, %mul3A_534 : vector<1x128xf32>
    %tanh3A_536 = math.tanh %add3A_535 : vector<1x128xf32>
    %sub3A_537 = arith.constant 1.000000e+00 : f32
    %sub3A_538 = vector.broadcast %sub3A_537 : f32 to vector<1x128xf32>
    %sub3A_539 = arith.subf %sub3A_538, %logistic3A_531 : vector<1x128xf32>
    %mul3A_540 = arith.mulf %sub3A_539, %tanh3A_536 : vector<1x128xf32>
    %mul3A_541 = arith.mulf %logistic3A_531, %add3A_492 : vector<1x128xf32>
    %add3A_542 = arith.addf %mul3A_540, %mul3A_541 : vector<1x128xf32>
    %get3A_543 = arith.constant 11 : index
    %get3A_544 = arith.constant 0 : index
    %get3A_545 = vector.load %arg0[%get3A_543, %get3A_544] : memref<12x128xf32, #tpu.memory_space<vmem>>, vector<1x128xf32>
    %get3A_546 = arith.constant 0 : index
    %get3A_547 = arith.constant 0 : index
    %get3A_548 = vector.load %arg1[%get3A_546, %get3A_547] : memref<128x384xf32, #tpu.memory_space<vmem>>, vector<128x384xf32>
    %dot_general3A_549 = arith.constant dense<0.000000e+00> : vector<1x384xf32>
    %dot_general3A_550 = tpu.matmul %get3A_545, %get3A_548, %dot_general3A_549 {dimension_numbers = #tpu.dot_dimension_numbers<[1], [0], [0], [1], [0, 0, 1, 1], [], []>, transpose_lhs_hint = false} : vector<1x128xf32>, vector<128x384xf32>, vector<1x384xf32> -> vector<1x384xf32>
    %get3A_551 = arith.constant 0 : index
    %get3A_552 = arith.constant 0 : index
    %get3A_553 = vector.load %arg3[%get3A_551, %get3A_552] : memref<1x384xf32, #tpu.memory_space<vmem>>, vector<1x384xf32>
    %add3A_554 = arith.addf %dot_general3A_550, %get3A_553 : vector<1x384xf32>
    %get3A_555 = arith.constant 0 : index
    %get3A_556 = arith.constant 0 : index
    %get3A_557 = vector.load %arg2[%get3A_555, %get3A_556] : memref<128x384xf32, #tpu.memory_space<vmem>>, vector<128x384xf32>
    %dot_general3A_558 = arith.constant dense<0.000000e+00> : vector<1x384xf32>
    %dot_general3A_559 = tpu.matmul %add3A_542, %get3A_557, %dot_general3A_558 {dimension_numbers = #tpu.dot_dimension_numbers<[1], [0], [0], [1], [0, 0, 1, 1], [], []>, transpose_lhs_hint = false} : vector<1x128xf32>, vector<128x384xf32>, vector<1x384xf32> -> vector<1x384xf32>
    %get3A_560 = arith.constant 0 : index
    %get3A_561 = arith.constant 0 : index
    %get3A_562 = vector.load %arg4[%get3A_560, %get3A_561] : memref<1x384xf32, #tpu.memory_space<vmem>>, vector<1x384xf32>
    %add3A_563 = arith.addf %dot_general3A_559, %get3A_562 : vector<1x384xf32>
    %slice3A_564 = vector.extract_strided_slice %add3A_554 {offsets = [0, 0], sizes = [1, 128], strides = [1, 1]} : vector<1x384xf32> to vector<1x128xf32>
    %slice3A_565 = vector.extract_strided_slice %add3A_563 {offsets = [0, 0], sizes = [1, 128], strides = [1, 1]} : vector<1x384xf32> to vector<1x128xf32>
    %add3A_566 = arith.addf %slice3A_564, %slice3A_565 : vector<1x128xf32>
    %logistic3A_567 = arith.negf %add3A_566 : vector<1x128xf32>
    %logistic3A_568 = math.exp %logistic3A_567 : vector<1x128xf32>
    %logistic3A_569 = arith.constant 1.000000e+00 : f32
    %logistic3A_570 = vector.broadcast %logistic3A_569 : f32 to vector<1x128xf32>
    %logistic3A_571 = arith.addf %logistic3A_570, %logistic3A_568 : vector<1x128xf32>
    %logistic3A_572 = arith.divf %logistic3A_570, %logistic3A_571 : vector<1x128xf32>
    %slice3A_573 = vector.extract_strided_slice %add3A_554 {offsets = [0, 128], sizes = [1, 128], strides = [1, 1]} : vector<1x384xf32> to vector<1x128xf32>
    %slice3A_574 = vector.extract_strided_slice %add3A_563 {offsets = [0, 128], sizes = [1, 128], strides = [1, 1]} : vector<1x384xf32> to vector<1x128xf32>
    %add3A_575 = arith.addf %slice3A_573, %slice3A_574 : vector<1x128xf32>
    %logistic3A_576 = arith.negf %add3A_575 : vector<1x128xf32>
    %logistic3A_577 = math.exp %logistic3A_576 : vector<1x128xf32>
    %logistic3A_578 = arith.constant 1.000000e+00 : f32
    %logistic3A_579 = vector.broadcast %logistic3A_578 : f32 to vector<1x128xf32>
    %logistic3A_580 = arith.addf %logistic3A_579, %logistic3A_577 : vector<1x128xf32>
    %logistic3A_581 = arith.divf %logistic3A_579, %logistic3A_580 : vector<1x128xf32>
    %slice3A_582 = vector.extract_strided_slice %add3A_554 {offsets = [0, 256], sizes = [1, 128], strides = [1, 1]} : vector<1x384xf32> to vector<1x128xf32>
    %slice3A_583 = vector.extract_strided_slice %add3A_563 {offsets = [0, 256], sizes = [1, 128], strides = [1, 1]} : vector<1x384xf32> to vector<1x128xf32>
    %mul3A_584 = arith.mulf %logistic3A_572, %slice3A_583 : vector<1x128xf32>
    %add3A_585 = arith.addf %slice3A_582, %mul3A_584 : vector<1x128xf32>
    %tanh3A_586 = math.tanh %add3A_585 : vector<1x128xf32>
    %sub3A_587 = arith.constant 1.000000e+00 : f32
    %sub3A_588 = vector.broadcast %sub3A_587 : f32 to vector<1x128xf32>
    %sub3A_589 = arith.subf %sub3A_588, %logistic3A_581 : vector<1x128xf32>
    %mul3A_590 = arith.mulf %sub3A_589, %tanh3A_586 : vector<1x128xf32>
    %mul3A_591 = arith.mulf %logistic3A_581, %add3A_542 : vector<1x128xf32>
    %add3A_592 = arith.addf %mul3A_590, %mul3A_591 : vector<1x128xf32>
    %get3A_593 = arith.constant 0 : index
    %get3A_594 = arith.constant 0 : index
    %get3A_595 = vector.load %arg5[%get3A_593, %get3A_594] : memref<128x64xf32, #tpu.memory_space<vmem>>, vector<128x64xf32>
    %dot_general3A_596 = arith.constant dense<0.000000e+00> : vector<1x64xf32>
    %dot_general3A_597 = tpu.matmul %add3A_592, %get3A_595, %dot_general3A_596 {dimension_numbers = #tpu.dot_dimension_numbers<[1], [0], [0], [1], [0, 0, 1, 1], [], []>, transpose_lhs_hint = false} : vector<1x128xf32>, vector<128x64xf32>, vector<1x64xf32> -> vector<1x64xf32>
    %get3A_598 = arith.constant 0 : index
    %get3A_599 = arith.constant 0 : index
    %get3A_600 = vector.load %arg6[%get3A_598, %get3A_599] : memref<1x64xf32, #tpu.memory_space<vmem>>, vector<1x64xf32>
    %add3A_601 = arith.addf %dot_general3A_597, %get3A_600 : vector<1x64xf32>
    %get3A_602 = arith.constant 0 : index
    %get3A_603 = arith.constant 0 : index
    %get3A_604 = vector.load %arg7[%get3A_602, %get3A_603] : memref<128x64xf32, #tpu.memory_space<vmem>>, vector<128x64xf32>
    %dot_general3A_605 = arith.constant dense<0.000000e+00> : vector<1x64xf32>
    %dot_general3A_606 = tpu.matmul %add3A_592, %get3A_604, %dot_general3A_605 {dimension_numbers = #tpu.dot_dimension_numbers<[1], [0], [0], [1], [0, 0, 1, 1], [], []>, transpose_lhs_hint = false} : vector<1x128xf32>, vector<128x64xf32>, vector<1x64xf32> -> vector<1x64xf32>
    %get3A_607 = arith.constant 0 : index
    %get3A_608 = arith.constant 0 : index
    %get3A_609 = vector.load %arg8[%get3A_607, %get3A_608] : memref<1x64xf32, #tpu.memory_space<vmem>>, vector<1x64xf32>
    %add3A_610 = arith.addf %dot_general3A_606, %get3A_609 : vector<1x64xf32>
    %get3A_611 = arith.constant 0 : index
    %get3A_612 = arith.constant 0 : index
    %get3A_613 = vector.load %arg9[%get3A_611, %get3A_612] : memref<1x64xf32, #tpu.memory_space<vmem>>, vector<1x64xf32>
    %mul3A_614 = arith.constant 5.000000e-01 : f32
    %mul3A_615 = vector.broadcast %mul3A_614 : f32 to vector<1x64xf32>
    %mul3A_616 = arith.mulf %mul3A_615, %add3A_610 : vector<1x64xf32>
    %exp3A = math.exp %mul3A_616 : vector<1x64xf32>
    %mul3A_617 = arith.mulf %get3A_613, %exp3A : vector<1x64xf32>
    %add3A_618 = arith.addf %add3A_601, %mul3A_617 : vector<1x64xf32>
    %get3A_619 = arith.constant 0 : index
    %get3A_620 = arith.constant 0 : index
    %get3A_621 = vector.load %arg10[%get3A_619, %get3A_620] : memref<64x128xf32, #tpu.memory_space<vmem>>, vector<64x128xf32>
    %dot_general3A_622 = arith.constant dense<0.000000e+00> : vector<1x128xf32>
    %dot_general3A_623 = tpu.matmul %add3A_618, %get3A_621, %dot_general3A_622 {dimension_numbers = #tpu.dot_dimension_numbers<[1], [0], [0], [1], [0, 0, 1, 1], [], []>, transpose_lhs_hint = false} : vector<1x64xf32>, vector<64x128xf32>, vector<1x128xf32> -> vector<1x128xf32>
    %get3A_624 = arith.constant 0 : index
    %get3A_625 = arith.constant 0 : index
    %get3A_626 = vector.load %arg12[%get3A_624, %get3A_625] : memref<1x128xf32, #tpu.memory_space<vmem>>, vector<1x128xf32>
    %add3A_627 = arith.addf %dot_general3A_623, %get3A_626 : vector<1x128xf32>
    %get3A_628 = arith.constant 0 : index
    %get3A_629 = arith.constant 0 : index
    %get3A_630 = vector.load %arg0[%get3A_628, %get3A_629] : memref<12x128xf32, #tpu.memory_space<vmem>>, vector<1x128xf32>
    %get3A_631 = arith.constant 0 : index
    %get3A_632 = arith.constant 0 : index
    %get3A_633 = arith.constant 0 : index
    %get3A_634 = vector.load %arg11[%get3A_631, %get3A_632, %get3A_633] : memref<9x128x128xf32, #tpu.memory_space<vmem>>, vector<1x128x128xf32>
    %get3A_635 = vector.shape_cast %get3A_634 : vector<1x128x128xf32> to vector<128x128xf32>
    %dot_general3A_636 = arith.constant dense<0.000000e+00> : vector<1x128xf32>
    %dot_general3A_637 = tpu.matmul %get3A_630, %get3A_635, %dot_general3A_636 {dimension_numbers = #tpu.dot_dimension_numbers<[1], [0], [0], [1], [0, 0, 1, 1], [], []>, transpose_lhs_hint = false} : vector<1x128xf32>, vector<128x128xf32>, vector<1x128xf32> -> vector<1x128xf32>
    %add3A_638 = arith.addf %add3A_627, %dot_general3A_637 : vector<1x128xf32>
    %get3A_639 = arith.constant 1 : index
    %get3A_640 = arith.constant 0 : index
    %get3A_641 = vector.load %arg0[%get3A_639, %get3A_640] : memref<12x128xf32, #tpu.memory_space<vmem>>, vector<1x128xf32>
    %get3A_642 = arith.constant 1 : index
    %get3A_643 = arith.constant 0 : index
    %get3A_644 = arith.constant 0 : index
    %get3A_645 = vector.load %arg11[%get3A_642, %get3A_643, %get3A_644] : memref<9x128x128xf32, #tpu.memory_space<vmem>>, vector<1x128x128xf32>
    %get3A_646 = vector.shape_cast %get3A_645 : vector<1x128x128xf32> to vector<128x128xf32>
    %dot_general3A_647 = arith.constant dense<0.000000e+00> : vector<1x128xf32>
    %dot_general3A_648 = tpu.matmul %get3A_641, %get3A_646, %dot_general3A_647 {dimension_numbers = #tpu.dot_dimension_numbers<[1], [0], [0], [1], [0, 0, 1, 1], [], []>, transpose_lhs_hint = false} : vector<1x128xf32>, vector<128x128xf32>, vector<1x128xf32> -> vector<1x128xf32>
    %add3A_649 = arith.addf %add3A_638, %dot_general3A_648 : vector<1x128xf32>
    %get3A_650 = arith.constant 2 : index
    %get3A_651 = arith.constant 0 : index
    %get3A_652 = vector.load %arg0[%get3A_650, %get3A_651] : memref<12x128xf32, #tpu.memory_space<vmem>>, vector<1x128xf32>
    %get3A_653 = arith.constant 2 : index
    %get3A_654 = arith.constant 0 : index
    %get3A_655 = arith.constant 0 : index
    %get3A_656 = vector.load %arg11[%get3A_653, %get3A_654, %get3A_655] : memref<9x128x128xf32, #tpu.memory_space<vmem>>, vector<1x128x128xf32>
    %get3A_657 = vector.shape_cast %get3A_656 : vector<1x128x128xf32> to vector<128x128xf32>
    %dot_general3A_658 = arith.constant dense<0.000000e+00> : vector<1x128xf32>
    %dot_general3A_659 = tpu.matmul %get3A_652, %get3A_657, %dot_general3A_658 {dimension_numbers = #tpu.dot_dimension_numbers<[1], [0], [0], [1], [0, 0, 1, 1], [], []>, transpose_lhs_hint = false} : vector<1x128xf32>, vector<128x128xf32>, vector<1x128xf32> -> vector<1x128xf32>
    %add3A_660 = arith.addf %add3A_649, %dot_general3A_659 : vector<1x128xf32>
    %get3A_661 = arith.constant 3 : index
    %get3A_662 = arith.constant 0 : index
    %get3A_663 = vector.load %arg0[%get3A_661, %get3A_662] : memref<12x128xf32, #tpu.memory_space<vmem>>, vector<1x128xf32>
    %get3A_664 = arith.constant 3 : index
    %get3A_665 = arith.constant 0 : index
    %get3A_666 = arith.constant 0 : index
    %get3A_667 = vector.load %arg11[%get3A_664, %get3A_665, %get3A_666] : memref<9x128x128xf32, #tpu.memory_space<vmem>>, vector<1x128x128xf32>
    %get3A_668 = vector.shape_cast %get3A_667 : vector<1x128x128xf32> to vector<128x128xf32>
    %dot_general3A_669 = arith.constant dense<0.000000e+00> : vector<1x128xf32>
    %dot_general3A_670 = tpu.matmul %get3A_663, %get3A_668, %dot_general3A_669 {dimension_numbers = #tpu.dot_dimension_numbers<[1], [0], [0], [1], [0, 0, 1, 1], [], []>, transpose_lhs_hint = false} : vector<1x128xf32>, vector<128x128xf32>, vector<1x128xf32> -> vector<1x128xf32>
    %add3A_671 = arith.addf %add3A_660, %dot_general3A_670 : vector<1x128xf32>
    %get3A_672 = arith.constant 4 : index
    %get3A_673 = arith.constant 0 : index
    %get3A_674 = vector.load %arg0[%get3A_672, %get3A_673] : memref<12x128xf32, #tpu.memory_space<vmem>>, vector<1x128xf32>
    %get3A_675 = arith.constant 4 : index
    %get3A_676 = arith.constant 0 : index
    %get3A_677 = arith.constant 0 : index
    %get3A_678 = vector.load %arg11[%get3A_675, %get3A_676, %get3A_677] : memref<9x128x128xf32, #tpu.memory_space<vmem>>, vector<1x128x128xf32>
    %get3A_679 = vector.shape_cast %get3A_678 : vector<1x128x128xf32> to vector<128x128xf32>
    %dot_general3A_680 = arith.constant dense<0.000000e+00> : vector<1x128xf32>
    %dot_general3A_681 = tpu.matmul %get3A_674, %get3A_679, %dot_general3A_680 {dimension_numbers = #tpu.dot_dimension_numbers<[1], [0], [0], [1], [0, 0, 1, 1], [], []>, transpose_lhs_hint = false} : vector<1x128xf32>, vector<128x128xf32>, vector<1x128xf32> -> vector<1x128xf32>
    %add3A_682 = arith.addf %add3A_671, %dot_general3A_681 : vector<1x128xf32>
    %get3A_683 = arith.constant 5 : index
    %get3A_684 = arith.constant 0 : index
    %get3A_685 = vector.load %arg0[%get3A_683, %get3A_684] : memref<12x128xf32, #tpu.memory_space<vmem>>, vector<1x128xf32>
    %get3A_686 = arith.constant 5 : index
    %get3A_687 = arith.constant 0 : index
    %get3A_688 = arith.constant 0 : index
    %get3A_689 = vector.load %arg11[%get3A_686, %get3A_687, %get3A_688] : memref<9x128x128xf32, #tpu.memory_space<vmem>>, vector<1x128x128xf32>
    %get3A_690 = vector.shape_cast %get3A_689 : vector<1x128x128xf32> to vector<128x128xf32>
    %dot_general3A_691 = arith.constant dense<0.000000e+00> : vector<1x128xf32>
    %dot_general3A_692 = tpu.matmul %get3A_685, %get3A_690, %dot_general3A_691 {dimension_numbers = #tpu.dot_dimension_numbers<[1], [0], [0], [1], [0, 0, 1, 1], [], []>, transpose_lhs_hint = false} : vector<1x128xf32>, vector<128x128xf32>, vector<1x128xf32> -> vector<1x128xf32>
    %add3A_693 = arith.addf %add3A_682, %dot_general3A_692 : vector<1x128xf32>
    %get3A_694 = arith.constant 6 : index
    %get3A_695 = arith.constant 0 : index
    %get3A_696 = vector.load %arg0[%get3A_694, %get3A_695] : memref<12x128xf32, #tpu.memory_space<vmem>>, vector<1x128xf32>
    %get3A_697 = arith.constant 6 : index
    %get3A_698 = arith.constant 0 : index
    %get3A_699 = arith.constant 0 : index
    %get3A_700 = vector.load %arg11[%get3A_697, %get3A_698, %get3A_699] : memref<9x128x128xf32, #tpu.memory_space<vmem>>, vector<1x128x128xf32>
    %get3A_701 = vector.shape_cast %get3A_700 : vector<1x128x128xf32> to vector<128x128xf32>
    %dot_general3A_702 = arith.constant dense<0.000000e+00> : vector<1x128xf32>
    %dot_general3A_703 = tpu.matmul %get3A_696, %get3A_701, %dot_general3A_702 {dimension_numbers = #tpu.dot_dimension_numbers<[1], [0], [0], [1], [0, 0, 1, 1], [], []>, transpose_lhs_hint = false} : vector<1x128xf32>, vector<128x128xf32>, vector<1x128xf32> -> vector<1x128xf32>
    %add3A_704 = arith.addf %add3A_693, %dot_general3A_703 : vector<1x128xf32>
    %get3A_705 = arith.constant 7 : index
    %get3A_706 = arith.constant 0 : index
    %get3A_707 = vector.load %arg0[%get3A_705, %get3A_706] : memref<12x128xf32, #tpu.memory_space<vmem>>, vector<1x128xf32>
    %get3A_708 = arith.constant 7 : index
    %get3A_709 = arith.constant 0 : index
    %get3A_710 = arith.constant 0 : index
    %get3A_711 = vector.load %arg11[%get3A_708, %get3A_709, %get3A_710] : memref<9x128x128xf32, #tpu.memory_space<vmem>>, vector<1x128x128xf32>
    %get3A_712 = vector.shape_cast %get3A_711 : vector<1x128x128xf32> to vector<128x128xf32>
    %dot_general3A_713 = arith.constant dense<0.000000e+00> : vector<1x128xf32>
    %dot_general3A_714 = tpu.matmul %get3A_707, %get3A_712, %dot_general3A_713 {dimension_numbers = #tpu.dot_dimension_numbers<[1], [0], [0], [1], [0, 0, 1, 1], [], []>, transpose_lhs_hint = false} : vector<1x128xf32>, vector<128x128xf32>, vector<1x128xf32> -> vector<1x128xf32>
    %add3A_715 = arith.addf %add3A_704, %dot_general3A_714 : vector<1x128xf32>
    %get3A_716 = arith.constant 8 : index
    %get3A_717 = arith.constant 0 : index
    %get3A_718 = vector.load %arg0[%get3A_716, %get3A_717] : memref<12x128xf32, #tpu.memory_space<vmem>>, vector<1x128xf32>
    %get3A_719 = arith.constant 8 : index
    %get3A_720 = arith.constant 0 : index
    %get3A_721 = arith.constant 0 : index
    %get3A_722 = vector.load %arg11[%get3A_719, %get3A_720, %get3A_721] : memref<9x128x128xf32, #tpu.memory_space<vmem>>, vector<1x128x128xf32>
    %get3A_723 = vector.shape_cast %get3A_722 : vector<1x128x128xf32> to vector<128x128xf32>
    %dot_general3A_724 = arith.constant dense<0.000000e+00> : vector<1x128xf32>
    %dot_general3A_725 = tpu.matmul %get3A_718, %get3A_723, %dot_general3A_724 {dimension_numbers = #tpu.dot_dimension_numbers<[1], [0], [0], [1], [0, 0, 1, 1], [], []>, transpose_lhs_hint = false} : vector<1x128xf32>, vector<128x128xf32>, vector<1x128xf32> -> vector<1x128xf32>
    %add3A_726 = arith.addf %add3A_715, %dot_general3A_725 : vector<1x128xf32>
    %max3A = arith.constant 0.000000e+00 : f32
    %max3A_727 = vector.broadcast %max3A : f32 to vector<1x128xf32>
    %max3A_728 = arith.maximumf %add3A_726, %max3A_727 : vector<1x128xf32>
    %get3A_729 = arith.constant 0 : index
    %get3A_730 = arith.constant 0 : index
    %get3A_731 = vector.load %arg15[%get3A_729, %get3A_730] : memref<128x128xf32, #tpu.memory_space<vmem>>, vector<128x128xf32>
    %dot_general3A_732 = arith.constant dense<0.000000e+00> : vector<1x128xf32>
    %dot_general3A_733 = tpu.matmul %max3A_728, %get3A_731, %dot_general3A_732 {dimension_numbers = #tpu.dot_dimension_numbers<[1], [0], [0], [1], [0, 0, 1, 1], [], []>, transpose_lhs_hint = false} : vector<1x128xf32>, vector<128x128xf32>, vector<1x128xf32> -> vector<1x128xf32>
    %get3A_734 = arith.constant 0 : index
    %get3A_735 = arith.constant 0 : index
    %get3A_736 = vector.load %arg14[%get3A_734, %get3A_735] : memref<1x128xf32, #tpu.memory_space<vmem>>, vector<1x128xf32>
    %add3A_737 = arith.addf %dot_general3A_733, %get3A_736 : vector<1x128xf32>
    %get3A_738 = arith.constant 0 : index
    %get3A_739 = arith.constant 0 : index
    %get3A_740 = vector.load %arg13[%get3A_738, %get3A_739] : memref<128x128xf32, #tpu.memory_space<vmem>>, vector<128x128xf32>
    %dot_general3A_741 = arith.constant dense<0.000000e+00> : vector<1x128xf32>
    %dot_general3A_742 = tpu.matmul %max3A_728, %get3A_740, %dot_general3A_741 {dimension_numbers = #tpu.dot_dimension_numbers<[1], [0], [0], [1], [0, 0, 1, 1], [], []>, transpose_lhs_hint = false} : vector<1x128xf32>, vector<128x128xf32>, vector<1x128xf32> -> vector<1x128xf32>
    %swap3A = arith.constant 0 : index
    %swap3A_743 = arith.constant 0 : index
    %swap3A_744 = vector.load %arg16[%swap3A, %swap3A_743] : memref<1x64xf32, #tpu.memory_space<vmem>>, vector<1x64xf32>
    tpu.vector_store %arg16[%swap3A, %swap3A_743], %add3A_601 {strides = array<i32>} : memref<1x64xf32, #tpu.memory_space<vmem>>, vector<1x64xf32>,
    %swap3A_745 = arith.constant 0 : index
    %swap3A_746 = arith.constant 0 : index
    %swap3A_747 = vector.load %arg17[%swap3A_745, %swap3A_746] : memref<1x64xf32, #tpu.memory_space<vmem>>, vector<1x64xf32>
    tpu.vector_store %arg17[%swap3A_745, %swap3A_746], %add3A_610 {strides = array<i32>} : memref<1x64xf32, #tpu.memory_space<vmem>>, vector<1x64xf32>,
    %add3A_748 = arith.addf %add3A_737, %dot_general3A_742 : vector<1x128xf32>
    %swap3A_749 = arith.constant 0 : index
    %swap3A_750 = arith.constant 0 : index
    %swap3A_751 = vector.load %arg18[%swap3A_749, %swap3A_750] : memref<2x128xf32, #tpu.memory_space<vmem>>, vector<1x128xf32>
    tpu.vector_store %arg18[%swap3A_749, %swap3A_750], %add3A_748 {strides = array<i32>} : memref<2x128xf32, #tpu.memory_space<vmem>>, vector<1x128xf32>,
    %swap3A_752 = arith.constant 1 : index
    %swap3A_753 = arith.constant 0 : index
    %swap3A_754 = vector.load %arg18[%swap3A_752, %swap3A_753] : memref<2x128xf32, #tpu.memory_space<vmem>>, vector<1x128xf32>
    tpu.vector_store %arg18[%swap3A_752, %swap3A_753], %add3A_737 {strides = array<i32>} : memref<2x128xf32, #tpu.memory_space<vmem>>, vector<1x128xf32>,
    return
  }
}

</mosaic_0001>

<sc_bundles>
// kernel: kernel.6.cloned.1.call-start
scs
__scs_entry_jumppad:
0x0: {  	(pc) =	sbr.rel $0x88, $3  }
0x1: {  	(tag) =	ssettag $0x0;
	lr =	simm.s32 $0x1  }
0x2: {  	[smem:$0x3F8F] =	sst lr;
	_ =	strace $0xD0000000  }
0x3: {  	_ = 	snop  }
0x4: {  	_ = 	snop  }
0x5: {  	_ = 	snop  }
0x6: {  	_ = 	snop  }
0x7: {  	_ = 	snop  }
__scs_overlays_trampoline_lowered:
0x8: {  	[smem:$0x3F9E] =	sst s0  }
0x9: {  	[smem:$0x3F9F] =	sst s1  }
0xa: {  	[smem:$0x3FA0] =	sst s2  }
0xb: {  	[smem:$0x3FA1] =	sst s3  }
0xc: {  	[smem:$0x3FA2] =	sst s4  }
0xd: {  	[smem:$0x3FA3] =	sst s5  }
0xe: {  	[smem:$0x3FA4] =	sst s6  }
0xf: {  	[smem:$0x3FA5] =	sst s7  }
0x10: {  	[smem:$0x3FA6] =	sst s8  }
0x11: {  	[smem:$0x3FA7] =	sst s9;
	s0 =	simm.s32 @!p0 $0x0  }
0x12: {  	s1 =	sld [smem:$0x3F8D];
	s0 =	simm.s32 @p0 $0x1  }
0x13: {  	[smem:$0x3FA8] =	sst s0;
	s0 =	simm.s32 @!p1 $0x0  }
0x14: {  	s2 =	sld [smem:$0x3F8C];
	s0 =	simm.s32 @p1 $0x1  }
0x15: {  	[smem:$0x3FA9] =	sst s0;
	s0 =	simm.s32 @!p2 $0x0  }
0x16: {  	s3 =	sld [smem:$0x3FDB];
	s0 =	simm.s32 @p2 $0x1  }
0x17: {  	s4 =	simm.s32 $0x1BF5;
	[smem:$0x3FAB] =	sst s0  }
0x18: {  	s0 =	sld [smem:$0x3F8E];
	_ =	swait.ge [sflag:s4], $0x0  }
0x19: {  	s7 =	sld [smem:$0x3F8F]  }
0x1a: {  	s8 =	sadd.s32 $0xFFFFE003, lr  }
0x1b: {  	s9 =	sadd.s32 $0xFFFFFEF7, lr;
	s5 =	simm.s32 $0xFFFFFFFF;
	p2 =	slt.u32 s8, $0xFFFFF086  }
0x1c: {  	p1 =	slt.u32 s9, $0xF7A;
	s5 =	simm.s32 @!p2 $0x0  }
0x1d: {  	s5 =	simm.s32 @p1 $0x1;
	p0 =	seq.s32 s7, s2  }
0x1e: {  	s7 =	smul.u32 @!p0 $0xF7A, s2;
	p2 =	seq.s32 @!p0 s5, $0x0  }
0x1f: {  	s9 =	smul.u32 $0xF7A, s1;
	s8 =	simm.s32 @!p0 $0x1BF5;
	p2 =	por !p2, p0  }
0x20: {  	[sflag:s8] =	ssyncset.s32 @!p0 $0xFFFFF086;
	s6 =	sadd.s32 @!p0 s3, s7;
	s7 =	simm.s32 @!p0 $0x108  }
0x21: {  	s3 =	sadd.s32 s3, s9;
	s6 =	sadd.s32 @!p0 $0x88, s6;
	s7 =	simm.s32 @p2 $0x1082  }
0x22: {  	[simem:s7], [sflag:s8] =	dma.local @!p0 [hbm:s6], $0xF7A  }
0x23: {  	s9 =	sor.u32 $0xD0000000, s2;
	s6 =	simm.s32 $0x108;
	_ =	swait.ge @!p0 [sflag:s8], $0x0  }
0x24: {  	s3 =	sadd.s32 $0x88, s3;
	s6 =	simm.s32 @!p1 $0x1082;
	[sflag:s4] =	ssyncset.s32 $0xFFFFF086  }
0x25: {  	[simem:s6], [sflag:s4] =	dma.local [hbm:s3], $0xF7A  }
0x26: {  	[smem:$0x3F8F] =	sst s1;
	(tag) =	ssettag s2;
	_ =	strace s9  }
0x27: {  	s1 =	sld [smem:$0x3F9F]  }
0x28: {  	s2 =	sld [smem:$0x3FA0]  }
0x29: {  	s4 =	sld [smem:$0x3FA2]  }
0x2a: {  	p0 =	seq.s32 s5, $0x0;
	s5 =	sld [smem:$0x3FA3]  }
0x2b: {  	s6 =	sld [smem:$0x3FA4]  }
0x2c: {  	s7 =	sld [smem:$0x3FA5]  }
0x2d: {  	s3 =	simm.s32 $0x108;
	s8 =	sld [smem:$0x3FA6]  }
0x2e: {  	s3 =	simm.s32 @!p0 $0x1082;
	s9 =	sld [smem:$0x3FA7]  }
0x2f: {  	lr =	sadd.s32 s0, s3;
	s0 =	sld [smem:$0x3F9E]  }
0x30: {  	s3 =	sld [smem:$0x3FA1]  }
0x31: {  	[smem:$0x3FAA] =	sst s10  }
0x32: {  	s10 =	sld [smem:$0x3FA8];
	_ =	sdelay $0x3  }
0x33: {  	p0 =	seq.s32 s10, $0x1;
	s10 =	sld [smem:$0x3FAA];
	_ =	sdelay $0x3  }
0x34: {  	[smem:$0x3FAA] =	sst s10  }
0x35: {  	s10 =	sld [smem:$0x3FA9];
	_ =	sdelay $0x3  }
0x36: {  	p1 =	seq.s32 s10, $0x1;
	s10 =	sld [smem:$0x3FAA];
	_ =	sdelay $0x3  }
0x37: {  	[smem:$0x3FAA] =	sst s10  }
0x38: {  	s10 =	sld [smem:$0x3FAB]  }
0x39: {  	_ = 	snop;
	(pc) =	sbr.ind lr, $3  }
0x3a: {  	_ = 	snop  }
0x3b: {  	_ = 	snop  }
0x3c: {  	p2 =	seq.s32 s10, $0x1;
	s10 =	sld [smem:$0x3FAA]  }
0x3d: {  	_ =	shalt  }
0x3e: {  	_ =	shalt  }
0x3f: {  	_ =	shalt  }
0x40: {  	_ =	shalt  }
0x41: {  	_ =	shalt  }
0x42: {  	_ =	shalt  }
0x43: {  	_ =	shalt  }
0x44: {  	_ =	shalt  }
0x45: {  	_ =	shalt  }
0x46: {  	_ =	shalt  }
0x47: {  	_ =	shalt  }
0x48: {  	_ =	shalt  }
0x49: {  	_ =	shalt  }
0x4a: {  	_ =	shalt  }
0x4b: {  	_ =	shalt  }
0x4c: {  	_ =	shalt  }
0x4d: {  	_ =	shalt  }
0x4e: {  	_ =	shalt  }
0x4f: {  	_ =	shalt  }
0x50: {  	_ =	shalt  }
0x51: {  	_ =	shalt  }
0x52: {  	_ =	shalt  }
0x53: {  	_ =	shalt  }
0x54: {  	_ =	shalt  }
0x55: {  	_ =	shalt  }
0x56: {  	_ =	shalt  }
0x57: {  	_ =	shalt  }
0x58: {  	_ =	shalt  }
0x59: {  	_ =	shalt  }
0x5a: {  	_ =	shalt  }
0x5b: {  	_ =	shalt  }
0x5c: {  	_ =	shalt  }
0x5d: {  	_ =	shalt  }
0x5e: {  	_ =	shalt  }
0x5f: {  	_ =	shalt  }
0x60: {  	_ =	shalt  }
0x61: {  	_ =	shalt  }
0x62: {  	_ =	shalt  }
0x63: {  	_ =	shalt  }
0x64: {  	_ =	shalt  }
0x65: {  	_ =	shalt  }
0x66: {  	_ =	shalt  }
0x67: {  	_ =	shalt  }
0x68: {  	_ =	shalt  }
0x69: {  	_ =	shalt  }
0x6a: {  	_ =	shalt  }
0x6b: {  	_ =	shalt  }
0x6c: {  	_ =	shalt  }
0x6d: {  	_ =	shalt  }
0x6e: {  	_ =	shalt  }
0x6f: {  	_ =	shalt  }
0x70: {  	_ =	shalt  }
0x71: {  	_ =	shalt  }
0x72: {  	_ =	shalt  }
0x73: {  	_ =	shalt  }
0x74: {  	_ =	shalt  }
0x75: {  	_ =	shalt  }
0x76: {  	_ =	shalt  }
0x77: {  	_ =	shalt  }
0x78: {  	_ =	shalt  }
0x79: {  	_ =	shalt  }
0x7a: {  	_ =	shalt  }
0x7b: {  	_ =	shalt  }
0x7c: {  	_ =	shalt  }
0x7d: {  	_ =	shalt  }
0x7e: {  	_ =	shalt  }
0x7f: {  	_ =	shalt  }
0x80: {  	_ =	shalt  }
0x81: {  	_ =	shalt  }
0x82: {  	_ =	shalt  }
0x83: {  	_ =	shalt  }
0x84: {  	_ =	shalt  }
0x85: {  	_ =	shalt  }
0x86: {  	_ =	shalt  }
0x87: {  	_ =	shalt  }
.Lfunc_end0:
.L_simem_size_0:
called_computation_lowered:
.L_overlay_start_0:
0x88: {  	s2 =	sld [smem:$0x3FD9]  }
0x89: {  	s3 =	sld [smem:$0x3FFE];
	_ =	sdelay $0x1  }
0x8a: {  	s1 =	srdreg.scid  }
0x8b: {  	s0 =	sand.u32 $0x1, s1  }
0x8c: {  	s14 =	sshll.u32 s0, $0xA;
	s2 =	sadd.s32 s3, s2  }
0x8d: {  	s2 =	sadd.s32 s2, s14  }
0x8e: {  	[smem:$0x3FB6] =	sst s2  }
0x8f: {  	_ = 	snop  }
0x90: {  	s2 =	sld [smem:$0x3FD0];
	_ =	sdelay $0x2  }
0x91: {  	s4 =	simm.s32 $0xA;
	s5 =	simm.s32 $0x10;
	s15 =	sld [smem:$0x3FC9]  }
0x92: {  	[smem:s5], [sflag:s4] =	dma.local [hbm:s2], $0x1  }
0x93: {  	_ =	swait.eq [sflag:s4], $0x1  }
0x94: {  	[sflag:s4] =	ssyncset.done $0x0  }
0x95: {  	[sflag:s4] =	ssyncadd.s32 $0xFFFFFFFF  }
0x96: {  	s16 =	sld [smem:$0x10];
	(tm) =	ssettm $0x1  }
0x97: {  	s17 =	sld [smem:$0x3FFB];
	_ =	sdelay $0x3  }
0x98: {  	_ =	strace s17  }
0x99: {  	s4 =	sld [smem:$0x3FFC];
	_ =	sdelay $0x3  }
0x9a: {  	_ =	strace s4  }
0x9b: {  	s4 =	sld [smem:$0x3FFD];
	_ =	sdelay $0x3  }
0x9c: {  	_ =	strace s4  }
0x9d: {  	_ =	strace $0x8FFFFFFF  }
0x9e: {  	s18 =	sld [smem:$0x3FDB];
	_ =	sdelay $0x1  }
0x9f: {  	s19 =	simm.s32 $_scs_section_size  }
0xa0: {  	s6 =	simm.s32 $_size__tile_overlayer_lowered;
	s7 =	simm.s32 $_tile_overlayer_lowered  }
0xa1: {  	s22 =	simm.s32 $0x1BFF;
	s21 =	sshll.u32 s7, $0x1;
	s4 =	sadd.s32 s19, s18  }
0xa2: {  	s8 =	simm.s32 $0x0;
	s20 =	sshll.u32 s6, $0x1;
	s6 =	sadd.s32 s21, s4  }
0xa3: {  	[timem:s8], [sflag:s22] =	dma.local [hbm:s6], s20  }
0xa4: {  	_ =	swait.ge [sflag:s22], s20  }
0xa5: {  	s5 =	ssub.s32 $0x0, s20;
	[sflag:s22] =	ssyncset.done $0x0  }
0xa6: {  	[sflag:s22] =	ssyncadd.s32 s5;
	_ =	sdelay $0x1  }
0xa7: {  	s23 =	simm.s32 $0x1B8B  }
0xa8: {  	_ =	swait.ge [sflag:s23], $0x1  }
0xa9: {  	[sflag:s23] =	ssyncset.done $0x0  }
0xaa: {  	s25 =	simm.s32 $0x1B8E;
	s24 =	sld [smem:$0x3FFE];
	[sflag:s23] =	ssyncadd.s32 $0xFFFFFFFF  }
0xab: {  	s26 =	simm.s32 $execute0_lowered;
	[smem:$0x3FD2] =	sst s25  }
0xac: {  	s6 =	sshll.u32 s26, $0x1;
	_ =	strace $0x80000046;
	[dreg:$0x1] =	wrdreg $0xFFFFFFFF  }
0xad: {  	s28 =	simm.s32 $_size_execute0_lowered;
	s4 =	sadd.s32 s4, s6;
	[dreg:$0x0] =	wrdreg $0x0  }
0xae: {  	s6 =	sshll.u32 s28, $0x1;
	[dreg:$0x2] =	wrdreg s4  }
0xaf: {  	[dreg:$0x3] =	wrdreg s6  }
0xb0: {  	[dreg:$0x4] =	wrdreg $0xC0  }
0xb1: {  	_ =	task [dreg:s8], $0x5FFFF  }
0xb2: {  	[dreg:$0x1] =	wrdreg $0xFFFFFFFF  }
0xb3: {  	[dreg:$0x0] =	wrdreg $0x60  }
0xb4: {  	[dreg:$0x2] =	wrdreg s15  }
0xb5: {  	[dreg:$0x3] =	wrdreg s24  }
0xb6: {  	[dreg:$0x4] =	wrdreg s16  }
0xb7: {  	[dreg:$0x5] =	wrdreg $0x0  }
0xb8: {  	[dreg:$0x6] =	wrdreg $0x9  }
0xb9: {  	_ =	task.clear_ibuf [dreg:s8], $0x7FFFF;
	_ =	strace $0x90000046  }
0xba: {  	s29 =	simm.s32 $0x9;
	_ =	strace $0x80000048  }
0xbb: {  	_ =	swait.ge [sflag:s29], $0x1  }
0xbc: {  	[sflag:s29] =	ssyncadd.s32 $0xFFFFFFFF  }
0xbd: {  	_ =	strace $0x90000048  }
0xbe: {  	_ =	sfence  }
0xbf: {  	s30 =	sld [smem:$0x0];
	_ =	sdelay $0x2  }
0xc0: {  	s31 =	sshll.u32 s1, $0xD;
	s1 =	sshrl.u32 s1, $0x2  }
0xc1: {  	s3 =	sand.u32 $0x4000, s31;
	s1 =	sadd.s32 s1, s30  }
0xc2: {  	s0 =	sor.u32 s3, s0;
	s1 =	sshll.u32 s1, $0x11  }
0xc3: {  	s0 =	sor.u32 s1, s0  }
0xc4: {  	s0 =	sadd.s32 $0x8F2B, s0  }
0xc5: {  	[sflag:s0] =	ssyncadd.remote.s32 $0x1  }
0xc6: {  	_ =	sfence.sel $0xFFFF  }
0xc7: {  	[dreg:$0x0] =	wrdreg $0xFFFFFFFF;
	(pc) =	sbr.abs _section_cstart, $3  }
0xc8: {  	[dreg:$0x1] =	wrdreg $0xFFFFFFFF  }
0xc9: {  	_ =	task.clear_ibuf [dreg:s8], $0x2FFFF;
	_ =	strace $0x9FFFFFFF  }
0xca: {  	(tm) =	ssettm $0x7FFFFFFF  }
0xcb: {  	_ =	shalt  }
tec
execute0_lowered:
.L_overlay_start_1:
0x0: {  	(tag) =	ssettag $0x1  }
0x1: {  	s1 =	rddreg [dreg:$0x0]  }
0x2: {  	s5 =	rddreg [dreg:$0x1]  }
0x3: {  	s11 =	rddreg [dreg:$0x2]  }
0x4: {  	s3 =	rddreg [dreg:$0x3]  }
0x5: {  	s0 =	rddreg [dreg:$0x4];
	s2 =	stileid.u32  }
0x6: {  	s4 =	simm.s32 $0x0;
	s8 =	srdreg.scid;
	s6 =	smul.u32 $0x9C4, s2  }
0x7: {  	s17 =	simm.s32 $0x13880;
	s18 =	simm.s32 $0x2;
	s7 =	smul.u32 $0x3E80, s2  }
0x8: {  	s21 =	simm.s32 $0x13980;
	[smem:$0x7FF] =	sst s4;
	s10 =	smul.u32 $0x3E8, s2  }
0x9: {  	s23 =	sand.u32 $0x1, s8;
	s24 =	smul.u32 $0x7D000, s2;
	p0 =	sgt.u32 s2, $0x9  }
0xa: {  	_ =	strace $0x80000047;
	s22 =	ssub.s32 $0x2, s23;
	s19 =	smul.u32 $0xC350, s23  }
0xb: {  	p1 =	sne.s32 s23, $0x0;
	s23 =	simm.s32 $0x0;
	s14 =	sadd.s32 s6, s5  }
0xc: {  	s7 =	sadd.s32 s7, s5;
	s9 =	sshrl.u32 s22, $0x1;
	s25 =	sshrl.u32 s24, $0x2  }
0xd: {  	s5 =	sadd.s32 $0x3CA00, s5;
	s12 =	ssub.s32 s22, s9;
	s16 =	sadd.s32 s25, s3  }
0xe: {  	s26 =	sadd.s32 s10, s19;
	s20 =	sadd.s32 $0x2710, s19;
	s6 =	sadd.s32 $0x15800, s7  }
0xf: {  	s22 =	sadd.s32 $0x4E20, s19;
	s24 =	sadd.s32 $0x7530, s19;
	s25 =	sadd.s32 $0x9C40, s19  }
0x10: {  	v0 =	vmov s19;
	s19 =	simm.s32 $0x13900;
	s28 =	sshll.u32 s26, $0x4;
	s29 =	sadd.s32 s10, s20  }
0x11: {  	s30 =	sadd.s32 s10, s22;
	s13 =	sadd.s32 s10, s24;
	s15 =	sadd.s32 s10, s25  }
0x12: {  	s12 =	smax.u32 s12, $0x1;
	s16 =	sshrl.u32 @!p0 s16, $0x3;
	v1 =	vmov s20;
	s20 =	simm.s32 $0x50  }
.Ltmp0:
0x13: {  	v2 =	vmov s22;
	s22 =	simm.s32 $0x1;
	s7 =	sadd.s32 s11, s28;
	(pc) =	sbr.rel .LBB2_1-.Ltmp0, $4  }
0x14: {  	s8 =	sshll.u32 s29, $0x4;
	s9 =	sshll.u32 s30, $0x4;
	s13 =	sshll.u32 s13, $0x4  }
0x15: {  	s31 =	sshll.u32 s15, $0x4;
	s15 =	sshll.u32 @!p0 s2, $0x6;
	s8 =	sadd.s32 s11, s8  }
0x16: {  	s9 =	sadd.s32 s11, s9;
	s10 =	sadd.s32 s11, s13;
	s11 =	sadd.s32 s11, s31  }
0x17: {  	v3 =	vmov s24;
	v4 =	vmov s25;
	s13 =	sadd.s32 $0x1C00, s14;
	s14 =	sadd.s32 $0xBA00, s14;
	s15 =	sor.u32 @!p0 $0x1C02, s15  }
.LBB2_15:
0x18: {  	s24 =	sadd.s32 s24, s13;
	[sflag:s18] =	ssyncadd.s32 $0xFFFFD800  }
0x19: {  	[tilespmem:s19], [sflag:$0x2] =	stream.linear.gather [hbm4b:s24+s4], $0x50, $0x38;
	[tilespmem:$0x16180] =	vst v63  }
0x1a: {  	_ =	swait.ge [sflag:s18], $0x50  }
0x1b: {  	[sflag:s18] =	ssyncset.done $0x0  }
0x1c: {  	[sflag:s18] =	ssyncadd.s32 $0xFFFFFFB0  }
0x1d: {  	[spmem:s3] =	stream.indirect.scatter.add.f32 [tilespmem:s21], [sflag:$0x2], $0x80, s19, s20, $0xb8;
	[tilespmem:$0x16180] =	vst v63  }
0x1e: {  	_ =	swait.ge [sflag:s18], $0x2800  }
0x1f: {  	[sflag:s18] =	ssyncset.done $0x0  }
0x20: {  	[sflag:s18] =	ssyncadd.s32 $0xFFFFD800  }
.LBB2_16:
0x21: {  	s23 =	sadd.s32 $0x1, s23  }
0x22: {  	p2 =	sne.s32 s23, s12  }
.Ltmp1:
0x23: {  	[bflag:$0x0] =	sbarrier.arrive $0xFFFF;
	s24 =	simm.s32 @!p0 $0x2;
	(pc) =	sbr.rel @!p2 .LBB2_17-.Ltmp1, $4  }
0x24: {  	[hbm:s11], [sflag:s15] =	dma.local @!p0 [spmem:s16], $0x3E80  }
0x25: {  	_ =	swait.ge @!p0 [sflag:s24], $0x3E80  }
0x26: {  	[sflag:s24] =	ssyncset.done @!p0 $0x0  }
0x27: {  	[sflag:s24] =	ssyncadd.s32 @!p0 $0xFFFFC180  }
.LBB2_1:
0x28: {  	[spmem:s16], [sflag:s15] =	dma.local @!p0 [hbm:s6], $0x3E80  }
0x29: {  	s24 =	simm.s32 @!p0 $0x2  }
0x2a: {  	_ =	swait.ge @!p0 [sflag:s24], $0x3E80  }
0x2b: {  	[sflag:s24] =	ssyncset.done @!p0 $0x0  }
0x2c: {  	[sflag:s24] =	ssyncadd.s32 @!p0 $0xFFFFC180  }
0x2d: {  	s30 =	sadd.s32 $0x0, s14;
	[bflag:$0x0] =	sbarrier.arrive $0xFFFF  }
0x2e: {  	[tilespmem:s17], [sflag:$0x2] =	stream.linear.gather [hbm4b:s30+s4], $0x50, $0x38;
	[tilespmem:$0x16180] =	vst v63  }
0x2f: {  	_ =	swait.ge [sflag:s18], $0x50  }
0x30: {  	[sflag:s18] =	ssyncset.done $0x0  }
0x31: {  	s31 =	sadd.s32 $0x0, s13;
	[sflag:s18] =	ssyncadd.s32 $0xFFFFFFB0  }
0x32: {  	[tilespmem:s19], [sflag:$0x2] =	stream.linear.gather [hbm4b:s31+s4], $0x50, $0x38;
	[tilespmem:$0x16180] =	vst v63  }
0x33: {  	_ =	swait.ge [sflag:s18], $0x50  }
0x34: {  	[sflag:s18] =	ssyncset.done $0x0  }
0x35: {  	[sflag:s18] =	ssyncadd.s32 $0xFFFFFFB0  }
0x36: {  	v5 =	vld [tilespmem:$0x138C0]  }
0x37: {  	v6 =	vld [tilespmem:$0x138A0]  }
0x38: {  	v7 =	vld [tilespmem:$0x138B0]  }
0x39: {  	v8 =	vld [tilespmem:$0x13890]  }
0x3a: {  	v9 =	vld [tilespmem:$0x13880]  }
0x3b: {  	v5 =	vadd.s32 v0, v5  }
0x3c: {  	v6 =	vadd.s32 v0, v6;
	[tilespmem:$0x138C0] =	vst v5  }
0x3d: {  	[tilespmem:$0x138A0] =	vst v6;
	v5 =	vadd.s32 v0, v7  }
0x3e: {  	v6 =	vadd.s32 v0, v8;
	[tilespmem:$0x138B0] =	vst v5  }
0x3f: {  	v5 =	vadd.s32 v0, v9;
	[tilespmem:$0x13890] =	vst v6  }
0x40: {  	[tilespmem:$0x13880] =	vst v5  }
0x41: {  	[tilespmem:s21], [sflag:$0x1] =	stream.indirect.gather [hbm4b:s1+s20], $0x80, s17, s20, $0xb8;
	[tilespmem:$0x16180] =	vst v63  }
0x42: {  	_ =	swait.ge [sflag:s22], $0x2800  }
0x43: {  	s24 =	simm.s32 $0xA;
	[sflag:s22] =	ssyncset.done $0x0  }
.LBB2_2:
0x44: {  	p2 =	sne.s32 s24, $0x9BA  }
0x45: {  	[sflag:s22] =	ssyncadd.s32 $0xFFFFD800;
	s25 =	smov.u32 s24;
	s24 =	sadd.s32 $0xA, s24  }
0x46: {  	[spmem:s3] =	stream.indirect.scatter.add.f32 [tilespmem:s21], [sflag:$0x2], $0x80, s19, s20, $0xb8;
	[tilespmem:$0x16180] =	vst v63  }
0x47: {  	_ =	swait.ge [sflag:s18], $0x2800  }
0x48: {  	[sflag:s18] =	ssyncset.done $0x0  }
0x49: {  	s26 =	sadd.s32 s25, s14;
	[sflag:s18] =	ssyncadd.s32 $0xFFFFD800  }
0x4a: {  	[tilespmem:s17], [sflag:$0x2] =	stream.linear.gather [hbm4b:s26+s4], $0x50, $0x38;
	[tilespmem:$0x16180] =	vst v63  }
0x4b: {  	_ =	swait.ge [sflag:s18], $0x50  }
0x4c: {  	[sflag:s18] =	ssyncset.done $0x0  }
0x4d: {  	s25 =	sadd.s32 s25, s13;
	[sflag:s18] =	ssyncadd.s32 $0xFFFFFFB0  }
0x4e: {  	[tilespmem:s19], [sflag:$0x2] =	stream.linear.gather [hbm4b:s25+s4], $0x50, $0x38;
	[tilespmem:$0x16180] =	vst v63  }
0x4f: {  	_ =	swait.ge [sflag:s18], $0x50  }
0x50: {  	[sflag:s18] =	ssyncset.done $0x0  }
0x51: {  	[sflag:s18] =	ssyncadd.s32 $0xFFFFFFB0  }
0x52: {  	v5 =	vld [tilespmem:$0x138C0]  }
0x53: {  	v6 =	vld [tilespmem:$0x138A0]  }
0x54: {  	v7 =	vld [tilespmem:$0x138B0]  }
0x55: {  	v8 =	vld [tilespmem:$0x13890]  }
0x56: {  	v9 =	vld [tilespmem:$0x13880]  }
0x57: {  	v5 =	vadd.s32 v0, v5  }
0x58: {  	v6 =	vadd.s32 v0, v6;
	[tilespmem:$0x138C0] =	vst v5  }
0x59: {  	[tilespmem:$0x138A0] =	vst v6;
	v5 =	vadd.s32 v0, v7  }
0x5a: {  	v6 =	vadd.s32 v0, v8;
	[tilespmem:$0x138B0] =	vst v5  }
.Ltmp2:
0x5b: {  	v5 =	vadd.s32 v0, v9;
	[tilespmem:$0x13890] =	vst v6;
	(pc) =	sbr.rel @p2 .LBB2_2-.Ltmp2, $4  }
0x5c: {  	[tilespmem:$0x13880] =	vst v5  }
0x5d: {  	[tilespmem:s21], [sflag:$0x1] =	stream.indirect.gather [hbm4b:s1+s20], $0x80, s17, s20, $0xb8;
	[tilespmem:$0x16180] =	vst v63  }
0x5e: {  	_ =	swait.ge [sflag:s22], $0x2800  }
0x5f: {  	[sflag:s22] =	ssyncset.done $0x0  }
0x60: {  	[sflag:s22] =	ssyncadd.s32 $0xFFFFD800  }
0x61: {  	[spmem:s3] =	stream.indirect.scatter.add.f32 [tilespmem:s21], [sflag:$0x2], $0x80, s19, s20, $0xb8;
	[tilespmem:$0x16180] =	vst v63  }
0x62: {  	_ =	swait.ge [sflag:s18], $0x2800  }
0x63: {  	[sflag:s18] =	ssyncset.done $0x0  }
0x64: {  	[sflag:s18] =	ssyncadd.s32 $0xFFFFD800  }
0x65: {  	s24 =	simm.s32 @!p0 $0x2;
	[bflag:$0x0] =	sbarrier.arrive $0xFFFF  }
0x66: {  	[hbm:s7], [sflag:s15] =	dma.local @!p0 [spmem:s16], $0x3E80  }
0x67: {  	_ =	swait.ge @!p0 [sflag:s24], $0x3E80  }
0x68: {  	[sflag:s24] =	ssyncset.done @!p0 $0x0  }
0x69: {  	[sflag:s24] =	ssyncadd.s32 @!p0 $0xFFFFC180  }
0x6a: {  	[spmem:s16], [sflag:s15] =	dma.local @!p0 [hbm:s6], $0x3E80  }
0x6b: {  	_ =	swait.ge @!p0 [sflag:s24], $0x3E80  }
0x6c: {  	[sflag:s24] =	ssyncset.done @!p0 $0x0  }
0x6d: {  	[sflag:s24] =	ssyncadd.s32 @!p0 $0xFFFFC180  }
0x6e: {  	s30 =	sadd.s32 $0x0, s14;
	[bflag:$0x0] =	sbarrier.arrive $0xFFFF  }
0x6f: {  	[tilespmem:s17], [sflag:$0x2] =	stream.linear.gather [hbm4b:s30+s4], $0x50, $0x38;
	[tilespmem:$0x16180] =	vst v63  }
0x70: {  	_ =	swait.ge [sflag:s18], $0x50  }
0x71: {  	[sflag:s18] =	ssyncset.done $0x0  }
0x72: {  	s31 =	sadd.s32 $0x0, s13;
	[sflag:s18] =	ssyncadd.s32 $0xFFFFFFB0  }
0x73: {  	[tilespmem:s19], [sflag:$0x2] =	stream.linear.gather [hbm4b:s31+s4], $0x50, $0x38;
	[tilespmem:$0x16180] =	vst v63  }
0x74: {  	_ =	swait.ge [sflag:s18], $0x50  }
0x75: {  	[sflag:s18] =	ssyncset.done $0x0  }
0x76: {  	[sflag:s18] =	ssyncadd.s32 $0xFFFFFFB0  }
0x77: {  	v5 =	vld [tilespmem:$0x138C0]  }
0x78: {  	v6 =	vld [tilespmem:$0x138A0]  }
0x79: {  	v7 =	vld [tilespmem:$0x138B0]  }
0x7a: {  	v8 =	vld [tilespmem:$0x13890]  }
0x7b: {  	v9 =	vld [tilespmem:$0x13880]  }
0x7c: {  	v5 =	vadd.s32 v1, v5  }
0x7d: {  	v6 =	vadd.s32 v1, v6;
	[tilespmem:$0x138C0] =	vst v5  }
0x7e: {  	[tilespmem:$0x138A0] =	vst v6;
	v5 =	vadd.s32 v1, v7  }
0x7f: {  	v6 =	vadd.s32 v1, v8;
	[tilespmem:$0x138B0] =	vst v5  }
0x80: {  	v5 =	vadd.s32 v1, v9;
	[tilespmem:$0x13890] =	vst v6  }
0x81: {  	[tilespmem:$0x13880] =	vst v5  }
0x82: {  	[tilespmem:s21], [sflag:$0x1] =	stream.indirect.gather [hbm4b:s1+s20], $0x80, s17, s20, $0xb8;
	[tilespmem:$0x16180] =	vst v63  }
0x83: {  	_ =	swait.ge [sflag:s22], $0x2800  }
0x84: {  	s24 =	simm.s32 $0xA;
	[sflag:s22] =	ssyncset.done $0x0  }
.LBB2_4:
0x85: {  	p2 =	sne.s32 s24, $0x9BA  }
0x86: {  	[sflag:s22] =	ssyncadd.s32 $0xFFFFD800;
	s25 =	smov.u32 s24;
	s24 =	sadd.s32 $0xA, s24  }
0x87: {  	[spmem:s3] =	stream.indirect.scatter.add.f32 [tilespmem:s21], [sflag:$0x2], $0x80, s19, s20, $0xb8;
	[tilespmem:$0x16180] =	vst v63  }
0x88: {  	_ =	swait.ge [sflag:s18], $0x2800  }
0x89: {  	[sflag:s18] =	ssyncset.done $0x0  }
0x8a: {  	s26 =	sadd.s32 s25, s14;
	[sflag:s18] =	ssyncadd.s32 $0xFFFFD800  }
0x8b: {  	[tilespmem:s17], [sflag:$0x2] =	stream.linear.gather [hbm4b:s26+s4], $0x50, $0x38;
	[tilespmem:$0x16180] =	vst v63  }
0x8c: {  	_ =	swait.ge [sflag:s18], $0x50  }
0x8d: {  	[sflag:s18] =	ssyncset.done $0x0  }
0x8e: {  	s25 =	sadd.s32 s25, s13;
	[sflag:s18] =	ssyncadd.s32 $0xFFFFFFB0  }
0x8f: {  	[tilespmem:s19], [sflag:$0x2] =	stream.linear.gather [hbm4b:s25+s4], $0x50, $0x38;
	[tilespmem:$0x16180] =	vst v63  }
0x90: {  	_ =	swait.ge [sflag:s18], $0x50  }
0x91: {  	[sflag:s18] =	ssyncset.done $0x0  }
0x92: {  	[sflag:s18] =	ssyncadd.s32 $0xFFFFFFB0  }
0x93: {  	v5 =	vld [tilespmem:$0x138C0]  }
0x94: {  	v6 =	vld [tilespmem:$0x138A0]  }
0x95: {  	v7 =	vld [tilespmem:$0x138B0]  }
0x96: {  	v8 =	vld [tilespmem:$0x13890]  }
0x97: {  	v9 =	vld [tilespmem:$0x13880]  }
0x98: {  	v5 =	vadd.s32 v1, v5  }
0x99: {  	v6 =	vadd.s32 v1, v6;
	[tilespmem:$0x138C0] =	vst v5  }
0x9a: {  	[tilespmem:$0x138A0] =	vst v6;
	v5 =	vadd.s32 v1, v7  }
0x9b: {  	v6 =	vadd.s32 v1, v8;
	[tilespmem:$0x138B0] =	vst v5  }
.Ltmp3:
0x9c: {  	v5 =	vadd.s32 v1, v9;
	[tilespmem:$0x13890] =	vst v6;
	(pc) =	sbr.rel @p2 .LBB2_4-.Ltmp3, $4  }
0x9d: {  	[tilespmem:$0x13880] =	vst v5  }
0x9e: {  	[tilespmem:s21], [sflag:$0x1] =	stream.indirect.gather [hbm4b:s1+s20], $0x80, s17, s20, $0xb8;
	[tilespmem:$0x16180] =	vst v63  }
0x9f: {  	_ =	swait.ge [sflag:s22], $0x2800  }
0xa0: {  	[sflag:s22] =	ssyncset.done $0x0  }
0xa1: {  	[sflag:s22] =	ssyncadd.s32 $0xFFFFD800  }
0xa2: {  	[spmem:s3] =	stream.indirect.scatter.add.f32 [tilespmem:s21], [sflag:$0x2], $0x80, s19, s20, $0xb8;
	[tilespmem:$0x16180] =	vst v63  }
0xa3: {  	_ =	swait.ge [sflag:s18], $0x2800  }
0xa4: {  	[sflag:s18] =	ssyncset.done $0x0  }
0xa5: {  	[sflag:s18] =	ssyncadd.s32 $0xFFFFD800  }
0xa6: {  	s24 =	simm.s32 @!p0 $0x2;
	[bflag:$0x0] =	sbarrier.arrive $0xFFFF  }
0xa7: {  	[hbm:s8], [sflag:s15] =	dma.local @!p0 [spmem:s16], $0x3E80  }
0xa8: {  	_ =	swait.ge @!p0 [sflag:s24], $0x3E80  }
0xa9: {  	[sflag:s24] =	ssyncset.done @!p0 $0x0  }
0xaa: {  	[sflag:s24] =	ssyncadd.s32 @!p0 $0xFFFFC180  }
0xab: {  	[spmem:s16], [sflag:s15] =	dma.local @!p0 [hbm:s6], $0x3E80  }
0xac: {  	_ =	swait.ge @!p0 [sflag:s24], $0x3E80  }
0xad: {  	[sflag:s24] =	ssyncset.done @!p0 $0x0  }
0xae: {  	[sflag:s24] =	ssyncadd.s32 @!p0 $0xFFFFC180  }
0xaf: {  	s30 =	sadd.s32 $0x0, s14;
	[bflag:$0x0] =	sbarrier.arrive $0xFFFF  }
0xb0: {  	[tilespmem:s17], [sflag:$0x2] =	stream.linear.gather [hbm4b:s30+s4], $0x50, $0x38;
	[tilespmem:$0x16180] =	vst v63  }
0xb1: {  	_ =	swait.ge [sflag:s18], $0x50  }
0xb2: {  	[sflag:s18] =	ssyncset.done $0x0  }
0xb3: {  	s31 =	sadd.s32 $0x0, s13;
	[sflag:s18] =	ssyncadd.s32 $0xFFFFFFB0  }
0xb4: {  	[tilespmem:s19], [sflag:$0x2] =	stream.linear.gather [hbm4b:s31+s4], $0x50, $0x38;
	[tilespmem:$0x16180] =	vst v63  }
0xb5: {  	_ =	swait.ge [sflag:s18], $0x50  }
0xb6: {  	[sflag:s18] =	ssyncset.done $0x0  }
0xb7: {  	[sflag:s18] =	ssyncadd.s32 $0xFFFFFFB0  }
0xb8: {  	v5 =	vld [tilespmem:$0x138C0]  }
0xb9: {  	v6 =	vld [tilespmem:$0x138A0]  }
0xba: {  	v7 =	vld [tilespmem:$0x138B0]  }
0xbb: {  	v8 =	vld [tilespmem:$0x13890]  }
0xbc: {  	v9 =	vld [tilespmem:$0x13880]  }
0xbd: {  	v5 =	vadd.s32 v2, v5  }
0xbe: {  	v6 =	vadd.s32 v2, v6;
	[tilespmem:$0x138C0] =	vst v5  }
0xbf: {  	[tilespmem:$0x138A0] =	vst v6;
	v5 =	vadd.s32 v2, v7  }
0xc0: {  	v6 =	vadd.s32 v2, v8;
	[tilespmem:$0x138B0] =	vst v5  }
0xc1: {  	v5 =	vadd.s32 v2, v9;
	[tilespmem:$0x13890] =	vst v6  }
0xc2: {  	[tilespmem:$0x13880] =	vst v5  }
0xc3: {  	[tilespmem:s21], [sflag:$0x1] =	stream.indirect.gather [hbm4b:s1+s20], $0x80, s17, s20, $0xb8;
	[tilespmem:$0x16180] =	vst v63  }
0xc4: {  	_ =	swait.ge [sflag:s22], $0x2800  }
0xc5: {  	s24 =	simm.s32 $0xA;
	[sflag:s22] =	ssyncset.done $0x0  }
.LBB2_6:
0xc6: {  	p2 =	sne.s32 s24, $0x9BA  }
0xc7: {  	[sflag:s22] =	ssyncadd.s32 $0xFFFFD800;
	s25 =	smov.u32 s24;
	s24 =	sadd.s32 $0xA, s24  }
0xc8: {  	[spmem:s3] =	stream.indirect.scatter.add.f32 [tilespmem:s21], [sflag:$0x2], $0x80, s19, s20, $0xb8;
	[tilespmem:$0x16180] =	vst v63  }
0xc9: {  	_ =	swait.ge [sflag:s18], $0x2800  }
0xca: {  	[sflag:s18] =	ssyncset.done $0x0  }
0xcb: {  	s26 =	sadd.s32 s25, s14;
	[sflag:s18] =	ssyncadd.s32 $0xFFFFD800  }
0xcc: {  	[tilespmem:s17], [sflag:$0x2] =	stream.linear.gather [hbm4b:s26+s4], $0x50, $0x38;
	[tilespmem:$0x16180] =	vst v63  }
0xcd: {  	_ =	swait.ge [sflag:s18], $0x50  }
0xce: {  	[sflag:s18] =	ssyncset.done $0x0  }
0xcf: {  	s25 =	sadd.s32 s25, s13;
	[sflag:s18] =	ssyncadd.s32 $0xFFFFFFB0  }
0xd0: {  	[tilespmem:s19], [sflag:$0x2] =	stream.linear.gather [hbm4b:s25+s4], $0x50, $0x38;
	[tilespmem:$0x16180] =	vst v63  }
0xd1: {  	_ =	swait.ge [sflag:s18], $0x50  }
0xd2: {  	[sflag:s18] =	ssyncset.done $0x0  }
0xd3: {  	[sflag:s18] =	ssyncadd.s32 $0xFFFFFFB0  }
0xd4: {  	v5 =	vld [tilespmem:$0x138C0]  }
0xd5: {  	v6 =	vld [tilespmem:$0x138A0]  }
0xd6: {  	v7 =	vld [tilespmem:$0x138B0]  }
0xd7: {  	v8 =	vld [tilespmem:$0x13890]  }
0xd8: {  	v9 =	vld [tilespmem:$0x13880]  }
0xd9: {  	v5 =	vadd.s32 v2, v5  }
0xda: {  	v6 =	vadd.s32 v2, v6;
	[tilespmem:$0x138C0] =	vst v5  }
0xdb: {  	[tilespmem:$0x138A0] =	vst v6;
	v5 =	vadd.s32 v2, v7  }
0xdc: {  	v6 =	vadd.s32 v2, v8;
	[tilespmem:$0x138B0] =	vst v5  }
.Ltmp4:
0xdd: {  	v5 =	vadd.s32 v2, v9;
	[tilespmem:$0x13890] =	vst v6;
	(pc) =	sbr.rel @p2 .LBB2_6-.Ltmp4, $4  }
0xde: {  	[tilespmem:$0x13880] =	vst v5  }
0xdf: {  	[tilespmem:s21], [sflag:$0x1] =	stream.indirect.gather [hbm4b:s1+s20], $0x80, s17, s20, $0xb8;
	[tilespmem:$0x16180] =	vst v63  }
0xe0: {  	_ =	swait.ge [sflag:s22], $0x2800  }
0xe1: {  	[sflag:s22] =	ssyncset.done $0x0  }
0xe2: {  	[sflag:s22] =	ssyncadd.s32 $0xFFFFD800  }
0xe3: {  	[spmem:s3] =	stream.indirect.scatter.add.f32 [tilespmem:s21], [sflag:$0x2], $0x80, s19, s20, $0xb8;
	[tilespmem:$0x16180] =	vst v63  }
0xe4: {  	_ =	swait.ge [sflag:s18], $0x2800  }
0xe5: {  	[sflag:s18] =	ssyncset.done $0x0  }
0xe6: {  	[sflag:s18] =	ssyncadd.s32 $0xFFFFD800  }
0xe7: {  	s24 =	simm.s32 @!p0 $0x2;
	[bflag:$0x0] =	sbarrier.arrive $0xFFFF  }
0xe8: {  	[hbm:s9], [sflag:s15] =	dma.local @!p0 [spmem:s16], $0x3E80  }
0xe9: {  	_ =	swait.ge @!p0 [sflag:s24], $0x3E80  }
0xea: {  	[sflag:s24] =	ssyncset.done @!p0 $0x0  }
0xeb: {  	[sflag:s24] =	ssyncadd.s32 @!p0 $0xFFFFC180  }
0xec: {  	[spmem:s16], [sflag:s15] =	dma.local @!p0 [hbm:s6], $0x3E80  }
0xed: {  	_ =	swait.ge @!p0 [sflag:s24], $0x3E80  }
0xee: {  	[sflag:s24] =	ssyncset.done @!p0 $0x0  }
0xef: {  	[sflag:s24] =	ssyncadd.s32 @!p0 $0xFFFFC180  }
0xf0: {  	s30 =	sadd.s32 $0x0, s14;
	[bflag:$0x0] =	sbarrier.arrive $0xFFFF  }
0xf1: {  	[tilespmem:s17], [sflag:$0x2] =	stream.linear.gather [hbm4b:s30+s4], $0x50, $0x38;
	[tilespmem:$0x16180] =	vst v63  }
0xf2: {  	_ =	swait.ge [sflag:s18], $0x50  }
0xf3: {  	[sflag:s18] =	ssyncset.done $0x0  }
0xf4: {  	s31 =	sadd.s32 $0x0, s13;
	[sflag:s18] =	ssyncadd.s32 $0xFFFFFFB0  }
0xf5: {  	[tilespmem:s19], [sflag:$0x2] =	stream.linear.gather [hbm4b:s31+s4], $0x50, $0x38;
	[tilespmem:$0x16180] =	vst v63  }
0xf6: {  	_ =	swait.ge [sflag:s18], $0x50  }
0xf7: {  	[sflag:s18] =	ssyncset.done $0x0  }
0xf8: {  	[sflag:s18] =	ssyncadd.s32 $0xFFFFFFB0  }
0xf9: {  	v5 =	vld [tilespmem:$0x138C0]  }
0xfa: {  	v6 =	vld [tilespmem:$0x138A0]  }
0xfb: {  	v7 =	vld [tilespmem:$0x138B0]  }
0xfc: {  	v8 =	vld [tilespmem:$0x13890]  }
0xfd: {  	v9 =	vld [tilespmem:$0x13880]  }
0xfe: {  	v5 =	vadd.s32 v3, v5  }
0xff: {  	v6 =	vadd.s32 v3, v6;
	[tilespmem:$0x138C0] =	vst v5  }
0x100: {  	[tilespmem:$0x138A0] =	vst v6;
	v5 =	vadd.s32 v3, v7  }
0x101: {  	v6 =	vadd.s32 v3, v8;
	[tilespmem:$0x138B0] =	vst v5  }
0x102: {  	v5 =	vadd.s32 v3, v9;
	[tilespmem:$0x13890] =	vst v6  }
0x103: {  	[tilespmem:$0x13880] =	vst v5  }
0x104: {  	[tilespmem:s21], [sflag:$0x1] =	stream.indirect.gather [hbm4b:s1+s20], $0x80, s17, s20, $0xb8;
	[tilespmem:$0x16180] =	vst v63  }
0x105: {  	_ =	swait.ge [sflag:s22], $0x2800  }
0x106: {  	s24 =	simm.s32 $0xA;
	[sflag:s22] =	ssyncset.done $0x0  }
.LBB2_8:
0x107: {  	p2 =	sne.s32 s24, $0x9BA  }
0x108: {  	[sflag:s22] =	ssyncadd.s32 $0xFFFFD800;
	s25 =	smov.u32 s24;
	s24 =	sadd.s32 $0xA, s24  }
0x109: {  	[spmem:s3] =	stream.indirect.scatter.add.f32 [tilespmem:s21], [sflag:$0x2], $0x80, s19, s20, $0xb8;
	[tilespmem:$0x16180] =	vst v63  }
0x10a: {  	_ =	swait.ge [sflag:s18], $0x2800  }
0x10b: {  	[sflag:s18] =	ssyncset.done $0x0  }
0x10c: {  	s26 =	sadd.s32 s25, s14;
	[sflag:s18] =	ssyncadd.s32 $0xFFFFD800  }
0x10d: {  	[tilespmem:s17], [sflag:$0x2] =	stream.linear.gather [hbm4b:s26+s4], $0x50, $0x38;
	[tilespmem:$0x16180] =	vst v63  }
0x10e: {  	_ =	swait.ge [sflag:s18], $0x50  }
0x10f: {  	[sflag:s18] =	ssyncset.done $0x0  }
0x110: {  	s25 =	sadd.s32 s25, s13;
	[sflag:s18] =	ssyncadd.s32 $0xFFFFFFB0  }
0x111: {  	[tilespmem:s19], [sflag:$0x2] =	stream.linear.gather [hbm4b:s25+s4], $0x50, $0x38;
	[tilespmem:$0x16180] =	vst v63  }
0x112: {  	_ =	swait.ge [sflag:s18], $0x50  }
0x113: {  	[sflag:s18] =	ssyncset.done $0x0  }
0x114: {  	[sflag:s18] =	ssyncadd.s32 $0xFFFFFFB0  }
0x115: {  	v5 =	vld [tilespmem:$0x138C0]  }
0x116: {  	v6 =	vld [tilespmem:$0x138A0]  }
0x117: {  	v7 =	vld [tilespmem:$0x138B0]  }
0x118: {  	v8 =	vld [tilespmem:$0x13890]  }
0x119: {  	v9 =	vld [tilespmem:$0x13880]  }
0x11a: {  	v5 =	vadd.s32 v3, v5  }
0x11b: {  	v6 =	vadd.s32 v3, v6;
	[tilespmem:$0x138C0] =	vst v5  }
0x11c: {  	[tilespmem:$0x138A0] =	vst v6;
	v5 =	vadd.s32 v3, v7  }
0x11d: {  	v6 =	vadd.s32 v3, v8;
	[tilespmem:$0x138B0] =	vst v5  }
.Ltmp5:
0x11e: {  	v5 =	vadd.s32 v3, v9;
	[tilespmem:$0x13890] =	vst v6;
	(pc) =	sbr.rel @p2 .LBB2_8-.Ltmp5, $4  }
0x11f: {  	[tilespmem:$0x13880] =	vst v5  }
0x120: {  	[tilespmem:s21], [sflag:$0x1] =	stream.indirect.gather [hbm4b:s1+s20], $0x80, s17, s20, $0xb8;
	[tilespmem:$0x16180] =	vst v63  }
0x121: {  	_ =	swait.ge [sflag:s22], $0x2800  }
0x122: {  	[sflag:s22] =	ssyncset.done $0x0  }
0x123: {  	[sflag:s22] =	ssyncadd.s32 $0xFFFFD800  }
0x124: {  	[spmem:s3] =	stream.indirect.scatter.add.f32 [tilespmem:s21], [sflag:$0x2], $0x80, s19, s20, $0xb8;
	[tilespmem:$0x16180] =	vst v63  }
0x125: {  	_ =	swait.ge [sflag:s18], $0x2800  }
0x126: {  	[sflag:s18] =	ssyncset.done $0x0  }
0x127: {  	[sflag:s18] =	ssyncadd.s32 $0xFFFFD800  }
0x128: {  	s24 =	simm.s32 @!p0 $0x2;
	[bflag:$0x0] =	sbarrier.arrive $0xFFFF  }
0x129: {  	[hbm:s10], [sflag:s15] =	dma.local @!p0 [spmem:s16], $0x3E80  }
0x12a: {  	_ =	swait.ge @!p0 [sflag:s24], $0x3E80  }
0x12b: {  	[sflag:s24] =	ssyncset.done @!p0 $0x0  }
.Ltmp6:
0x12c: {  	[sflag:s24] =	ssyncadd.s32 @!p0 $0xFFFFC180;
	(pc) =	sbr.rel @p1 .LBB2_13-.Ltmp6, $4  }
0x12d: {  	[spmem:s16], [sflag:s15] =	dma.local @!p0 [hbm:s6], $0x3E80  }
0x12e: {  	_ =	swait.ge @!p0 [sflag:s24], $0x3E80  }
0x12f: {  	[sflag:s24] =	ssyncset.done @!p0 $0x0  }
0x130: {  	[sflag:s24] =	ssyncadd.s32 @!p0 $0xFFFFC180  }
0x131: {  	[bflag:$0x0] =	sbarrier.arrive $0xFFFF;
	s24 =	sadd.s32 $0x0, s14  }
0x132: {  	[tilespmem:s17], [sflag:$0x2] =	stream.linear.gather [hbm4b:s24+s4], $0x50, $0x38;
	[tilespmem:$0x16180] =	vst v63  }
0x133: {  	_ =	swait.ge [sflag:s18], $0x50  }
0x134: {  	[sflag:s18] =	ssyncset.done $0x0  }
0x135: {  	s31 =	sadd.s32 $0x0, s13;
	[sflag:s18] =	ssyncadd.s32 $0xFFFFFFB0  }
0x136: {  	[tilespmem:s19], [sflag:$0x2] =	stream.linear.gather [hbm4b:s31+s4], $0x50, $0x38;
	[tilespmem:$0x16180] =	vst v63  }
0x137: {  	_ =	swait.ge [sflag:s18], $0x50  }
0x138: {  	[sflag:s18] =	ssyncset.done $0x0  }
0x139: {  	[sflag:s18] =	ssyncadd.s32 $0xFFFFFFB0  }
0x13a: {  	v5 =	vld [tilespmem:$0x138C0]  }
0x13b: {  	v6 =	vld [tilespmem:$0x138A0]  }
0x13c: {  	v7 =	vld [tilespmem:$0x138B0]  }
0x13d: {  	v8 =	vld [tilespmem:$0x13890]  }
0x13e: {  	v9 =	vld [tilespmem:$0x13880]  }
0x13f: {  	v5 =	vadd.s32 v4, v5  }
0x140: {  	v6 =	vadd.s32 v4, v6;
	[tilespmem:$0x138C0] =	vst v5  }
0x141: {  	[tilespmem:$0x138A0] =	vst v6;
	v5 =	vadd.s32 v4, v7  }
0x142: {  	v6 =	vadd.s32 v4, v8;
	[tilespmem:$0x138B0] =	vst v5  }
0x143: {  	v5 =	vadd.s32 v4, v9;
	[tilespmem:$0x13890] =	vst v6  }
0x144: {  	[tilespmem:$0x13880] =	vst v5  }
0x145: {  	[tilespmem:s21], [sflag:$0x1] =	stream.indirect.gather [hbm4b:s1+s20], $0x80, s17, s20, $0xb8;
	[tilespmem:$0x16180] =	vst v63  }
0x146: {  	_ =	swait.ge [sflag:s22], $0x2800  }
0x147: {  	s24 =	simm.s32 $0xA;
	[sflag:s22] =	ssyncset.done $0x0  }
.LBB2_11:
0x148: {  	p2 =	seq.s32 s24, $0x9BA  }
0x149: {  	[sflag:s22] =	ssyncadd.s32 $0xFFFFD800;
	s25 =	smov.u32 s24;
	s24 =	sadd.s32 $0xA, s24  }
0x14a: {  	[spmem:s3] =	stream.indirect.scatter.add.f32 [tilespmem:s21], [sflag:$0x2], $0x80, s19, s20, $0xb8;
	[tilespmem:$0x16180] =	vst v63  }
0x14b: {  	_ =	swait.ge [sflag:s18], $0x2800  }
0x14c: {  	[sflag:s18] =	ssyncset.done $0x0  }
0x14d: {  	s26 =	sadd.s32 s25, s14;
	[sflag:s18] =	ssyncadd.s32 $0xFFFFD800  }
0x14e: {  	[tilespmem:s17], [sflag:$0x2] =	stream.linear.gather [hbm4b:s26+s4], $0x50, $0x38;
	[tilespmem:$0x16180] =	vst v63  }
0x14f: {  	_ =	swait.ge [sflag:s18], $0x50  }
0x150: {  	[sflag:s18] =	ssyncset.done $0x0  }
0x151: {  	s25 =	sadd.s32 s25, s13;
	[sflag:s18] =	ssyncadd.s32 $0xFFFFFFB0  }
0x152: {  	[tilespmem:s19], [sflag:$0x2] =	stream.linear.gather [hbm4b:s25+s4], $0x50, $0x38;
	[tilespmem:$0x16180] =	vst v63  }
0x153: {  	_ =	swait.ge [sflag:s18], $0x50  }
0x154: {  	[sflag:s18] =	ssyncset.done $0x0  }
0x155: {  	[sflag:s18] =	ssyncadd.s32 $0xFFFFFFB0  }
0x156: {  	v5 =	vld [tilespmem:$0x138C0]  }
0x157: {  	v6 =	vld [tilespmem:$0x138A0]  }
0x158: {  	v7 =	vld [tilespmem:$0x138B0]  }
0x159: {  	v8 =	vld [tilespmem:$0x13890]  }
0x15a: {  	v9 =	vld [tilespmem:$0x13880]  }
0x15b: {  	v5 =	vadd.s32 v4, v5  }
0x15c: {  	v6 =	vadd.s32 v4, v6;
	[tilespmem:$0x138C0] =	vst v5  }
0x15d: {  	[tilespmem:$0x138A0] =	vst v6;
	v5 =	vadd.s32 v4, v7  }
0x15e: {  	v6 =	vadd.s32 v4, v8;
	[tilespmem:$0x138B0] =	vst v5  }
.Ltmp7:
0x15f: {  	v5 =	vadd.s32 v4, v9;
	[tilespmem:$0x13890] =	vst v6;
	(pc) =	sbr.rel @!p2 .LBB2_11-.Ltmp7, $4  }
0x160: {  	[tilespmem:$0x13880] =	vst v5  }
0x161: {  	[tilespmem:s21], [sflag:$0x1] =	stream.indirect.gather [hbm4b:s1+s20], $0x80, s17, s20, $0xb8;
	[tilespmem:$0x16180] =	vst v63  }
0x162: {  	_ =	swait.ge [sflag:s22], $0x2800  }
0x163: {  	[sflag:s22] =	ssyncset.done $0x0  }
.Ltmp8:
0x164: {  	[sflag:s22] =	ssyncadd.s32 $0xFFFFD800;
	(pc) =	sbr.rel .LBB2_16-.Ltmp8, $4  }
0x165: {  	[spmem:s3] =	stream.indirect.scatter.add.f32 [tilespmem:s21], [sflag:$0x2], $0x80, s19, s20, $0xb8;
	[tilespmem:$0x16180] =	vst v63  }
0x166: {  	_ =	swait.ge [sflag:s18], $0x2800  }
0x167: {  	[sflag:s18] =	ssyncset.done $0x0  }
0x168: {  	[sflag:s18] =	ssyncadd.s32 $0xFFFFD800  }
.LBB2_13:
0x169: {  	s24 =	simm.s32 $0x0  }
0x16a: {  	[tilespmem:s21], [sflag:$0x2] =	stream.linear.gather [hbm4b:s5+s24], $0x2800, $0x38;
	[tilespmem:$0x16180] =	vst v63  }
0x16b: {  	_ =	swait.ge [sflag:s18], $0x2800  }
0x16c: {  	[sflag:s18] =	ssyncset.done $0x0  }
0x16d: {  	[sflag:s18] =	ssyncadd.s32 $0xFFFFD800  }
0x16e: {  	s31 =	sadd.s32 $0x0, s13;
	[bflag:$0x0] =	sbarrier.arrive $0xFFFF  }
0x16f: {  	[tilespmem:s19], [sflag:$0x2] =	stream.linear.gather [hbm4b:s31+s4], $0x50, $0x38;
	[tilespmem:$0x16180] =	vst v63  }
0x170: {  	_ =	swait.ge [sflag:s18], $0x50  }
0x171: {  	[sflag:s18] =	ssyncset.done $0x0  }
0x172: {  	[sflag:s18] =	ssyncadd.s32 $0xFFFFFFB0  }
0x173: {  	[spmem:s3] =	stream.indirect.scatter.add.f32 [tilespmem:s21], [sflag:$0x2], $0x80, s19, s20, $0xb8;
	[tilespmem:$0x16180] =	vst v63  }
0x174: {  	_ =	swait.ge [sflag:s18], $0x2800  }
0x175: {  	s25 =	simm.s32 $0x14;
	s24 =	simm.s32 $0xA;
	[sflag:s18] =	ssyncset.done $0x0  }
.LBB2_14:
0x176: {  	s26 =	sadd.s32 s24, s13  }
0x177: {  	[sflag:s18] =	ssyncadd.s32 $0xFFFFD800;
	s24 =	smov.u32 s25;
	s28 =	sadd.s32 $0xA, s25  }
0x178: {  	[tilespmem:s19], [sflag:$0x2] =	stream.linear.gather [hbm4b:s26+s4], $0x50, $0x38;
	[tilespmem:$0x16180] =	vst v63  }
0x179: {  	p2 =	sne.s32 s25, $0x9BA;
	_ =	swait.ge [sflag:s18], $0x50  }
.Ltmp9:
0x17a: {  	[sflag:s18] =	ssyncset.done $0x0;
	(pc) =	sbr.rel @p2 .LBB2_14-.Ltmp9, $4  }
0x17b: {  	[sflag:s18] =	ssyncadd.s32 $0xFFFFFFB0  }
0x17c: {  	[spmem:s3] =	stream.indirect.scatter.add.f32 [tilespmem:s21], [sflag:$0x2], $0x80, s19, s20, $0xb8;
	[tilespmem:$0x16180] =	vst v63  }
0x17d: {  	_ =	swait.ge [sflag:s18], $0x2800  }
0x17e: {  	s25 =	smov.u32 s28;
	[sflag:s18] =	ssyncset.done $0x0  }
.Ltmp10:
0x17f: {  	_ = 	snop;
	(pc) =	sbr.rel .LBB2_15-.Ltmp10, $1  }
0x180: {  	_ =	sdelay $0x3  }
.LBB2_17:
0x181: {  	_ =	sfence.sel $0x180000  }
0x182: {  	[bflag:$0x0] =	sbarrier.arrive $0xFFFF  }
0x183: {  	p0 =	sne.s32 s2, $0x0;
	_ =	strace $0x90000047  }
0x184: {  	s0 =	sadd.s32 @!p0 $0x100000, s0;
	[bflag:$0x2] =	sbarrier.arrive $0xFFFF  }
0x185: {  	[sflag:s0] =	ssyncadd.tile.s32 @!p0 $0x1;
	_ =	shalt  }
.Lfunc_end2:
_tile_overlayer_lowered:
.L_overlay_start_2:
0x186: {  	(tag) =	ssettag $0x2  }
0x187: {  	s0 =	rddreg [dreg:$0x0];
	s2 =	stileid.u32  }
0x188: {  	s1 =	rddreg [dreg:$0x1];
	p0 =	sne.s32 s2, $0x0  }
0x189: {  	s3 =	rddreg [dreg:$0x2];
	[bflag:$0x3] =	sbarrier.arrive $0xFFFF;
	s2 =	simm.s32 @!p0 $0x1C02  }
0x18a: {  	[timem:s3], [sflag:s2] =	dma.local @!p0 [hbm:s0], s1  }
0x18b: {  	s0 =	simm.s32 @!p0 $0x2  }
0x18c: {  	_ =	swait.ge @!p0 [sflag:s0], s1  }
0x18d: {  	s1 =	ssub.s32 @!p0 $0x0, s1;
	[sflag:s0] =	ssyncset.done @!p0 $0x0  }
0x18e: {  	[sflag:s0] =	ssyncadd.s32 @!p0 s1  }
0x18f: {  	[bflag:$0x3] =	sbarrier.arrive $0xFFFF  }
0x190: {  	_ =	shalt  }

</sc_bundles>
